<compile_context>
chip_gen: v7x
topology: tpu7x:2x2x1
jax: 0.10.2.dev20260603
libtpu: 0.0.44.dev20260713+nightly
codegen_flags: <defaults>
</compile_context>

<pallas_src>
import functools

import jax
import jax.numpy as jnp
from jax import lax
from jax.experimental import pallas as pl
from jax.experimental.pallas import tpu as pltpu
from jax.experimental.pallas import tpu_sc as plsc

_B, _T, _IN = 32, 8192, 64
_HID = 64
_K = 16
_LIFT = 16
_DM = 256
_SELK = 8.0
_INV_LAM = 2.0
_CHUNK = 512
_NT = _T // _CHUNK
_NROWS = _B * _K
_LANE = 128
_RPB = _T // _LANE
_GROWS = _NROWS * _LIFT


def _k1_body(xt_ref, w1_ref, b1_ref, w2_ref, b2_ref, wlx_ref, sigx_ref,
             sal_ref, zx_ref, sumxt_ref):
    i = pl.program_id(0)
    bf = jnp.bfloat16
    w1 = w1_ref[...].astype(bf)
    b1 = b1_ref[...]
    w2 = w2_ref[...].astype(bf)
    b2 = b2_ref[0, 0]
    wlxs = (wlx_ref[...] / sigx_ref[...]).astype(bf)
    dn = (((0,), (0,)), ((), ()))
    f32 = jnp.float32

    xbs = [xt_ref[b] for b in range(_B)]
    xhs = [xb.astype(bf) for xb in xbs]
    hts = [jnp.tanh(lax.dot_general(w1, xh, dn, preferred_element_type=f32)
                    + b1) for xh in xhs]
    ess = [lax.dot_general(w2, ht.astype(bf), dn, preferred_element_type=f32)
           + b2 for ht in hts]
    zxs = [lax.dot_general(wlxs, xh, dn,
                           preferred_element_type=f32).reshape(
               1, _LIFT, _CHUNK) for xh in xhs]
    sxs = [jnp.sum(xb, axis=1, keepdims=True) for xb in xbs]

    sal_ref[...] = jax.nn.sigmoid(jnp.concatenate(ess, axis=0))
    zx_ref[...] = jnp.concatenate(zxs, axis=0)
    part = jnp.concatenate(sxs, axis=1)

    @pl.when(i == 0)
    def _():
        sumxt_ref[...] = part

    @pl.when(i > 0)
    def _():
        sumxt_ref[...] += part


def _k1(xt, w1, b1, w2, b2, w_lift, sigma):
    return pl.pallas_call(
        _k1_body,
        grid=(_NT,),
        in_specs=[
            pl.BlockSpec((_B, _IN, _CHUNK), lambda i: (0, 0, i)),
            pl.BlockSpec((_IN, _HID), lambda i: (0, 0)),
            pl.BlockSpec((_HID, 1), lambda i: (0, 0)),
            pl.BlockSpec((_HID, 1), lambda i: (0, 0)),
            pl.BlockSpec((1, 1), lambda i: (0, 0)),
            pl.BlockSpec((_IN, _LIFT), lambda i: (0, 0)),
            pl.BlockSpec((_IN, 1), lambda i: (0, 0)),
        ],
        out_specs=[
            pl.BlockSpec((_B, _CHUNK), lambda i: (0, i)),
            pl.BlockSpec((_B, _LIFT, _CHUNK), lambda i: (0, 0, i)),
            pl.BlockSpec((_IN, _B), lambda i: (0, 0)),
        ],
        out_shape=[
            jax.ShapeDtypeStruct((_B, _T), jnp.float32),
            jax.ShapeDtypeStruct((_B, _LIFT, _T), jnp.float32),
            jax.ShapeDtypeStruct((_IN, _B), jnp.float32),
        ],
    )(xt, w1, b1.reshape(_HID, 1), w2, b2.reshape(1, 1),
      w_lift[:_IN, :], sigma[:_IN].reshape(_IN, 1))


def _k2_body(sal_ref, ys_ref, idxt_ref, idxr_ref, selsal_ref, selcum_ref,
             stats_ref):
    sal = sal_ref[...]
    u = sal * _INV_LAM
    um = jnp.max(u, axis=1, keepdims=True)
    e = jnp.exp(u - um)
    se = jnp.sum(e, axis=1, keepdims=True)
    ys = jnp.clip(_SELK * (e / se), 0.0, 1.0)
    ys_ref[...] = ys

    iota = lax.broadcasted_iota(jnp.int32, (_B, _T), 1)
    fiota = iota.astype(jnp.float32)
    ssal = jnp.sum(sal, axis=1, keepdims=True)
    wsal = jnp.sum(sal * (_T - fiota), axis=1, keepdims=True)
    stats_ref[...] = jnp.concatenate(
        [ssal * (1.0 / _T), wsal * (1.0 / (_T * _T))], axis=1)

    biota = lax.broadcasted_iota(jnp.int32, (_B, 1), 0)
    liota = lax.broadcasted_iota(jnp.int32, (1, _LIFT), 1)
    rbase = (biota * _LIFT + liota) * _RPB

    y = ys
    idx_cols, row_cols, sal_cols, cum_cols = [], [], [], []
    for _ in range(_K):
        m = jnp.max(y, axis=1, keepdims=True)
        idx = jnp.min(jnp.where(y == m, iota, _T), axis=1, keepdims=True)
        onehot = iota == idx
        sal_cols.append(jnp.sum(jnp.where(onehot, sal, 0.0), axis=1,
                                keepdims=True))
        cum_cols.append(jnp.sum(jnp.where(iota <= idx, sal, 0.0), axis=1,
                                keepdims=True))
        idx_cols.append(idx)
        row_cols.append(rbase + (idx >> 7))
        y = jnp.where(onehot, -1.0, y)

    idxt_ref[...] = jnp.concatenate(idx_cols, axis=1)
    idxr_ref[...] = jnp.concatenate(row_cols, axis=1)
    selsal_ref[...] = jnp.concatenate(sal_cols, axis=1)
    selcum_ref[...] = jnp.concatenate(cum_cols, axis=1)


def _k2(sal):
    return pl.pallas_call(
        _k2_body,
        out_shape=[
            jax.ShapeDtypeStruct((_B, _T), jnp.float32),
            jax.ShapeDtypeStruct((_B, _K), jnp.int32),
            jax.ShapeDtypeStruct((_B, _K * _LIFT), jnp.int32),
            jax.ShapeDtypeStruct((_B, _K), jnp.float32),
            jax.ShapeDtypeStruct((_B, _K), jnp.float32),
            jax.ShapeDtypeStruct((_B, 2), jnp.float32),
        ],
    )(sal)


def _sc_gather(table, idx_flat):
    info = plsc.get_sparse_core_info()
    nw = info.num_cores * info.num_subcores
    bpw = _GROWS // nw
    mesh = plsc.VectorSubcoreMesh(core_axis_name="c", subcore_axis_name="s")

    @functools.partial(
        pl.kernel,
        mesh=mesh,
        out_type=jax.ShapeDtypeStruct((_GROWS, _LANE), jnp.float32),
        scratch_types=[
            pltpu.VMEM((bpw,), jnp.int32),
            pltpu.VMEM((bpw, _LANE), jnp.float32),
            pltpu.SemaphoreType.DMA,
        ],
    )
    def gather_kernel(table_hbm, idx_hbm, out_hbm, idx_v, rows_v, sem):
        wid = lax.axis_index("s") * info.num_cores + lax.axis_index("c")
        base = wid * bpw
        pltpu.sync_copy(idx_hbm.at[wid], idx_v)
        pltpu.async_copy(table_hbm.at[idx_v], rows_v, sem).wait()
        pltpu.sync_copy(rows_v, out_hbm.at[pl.ds(base, bpw)])

    return gather_kernel(table, idx_flat)


def _k4_body(xgz_ref, selsal_ref, selcum_ref, idxt_ref, sumxt_ref, stats_ref,
             wlx_ref, wlt_ref, mux_ref, mut_ref, sigx_ref, sigt_ref,
             wproj_ref, bproj_ref, out_ref):
    idxt = idxt_ref[...]
    lane = idxt & (_LANE - 1)
    oneh = (lax.broadcasted_iota(jnp.int32, (_NROWS, _LANE), 1)
            == lane).astype(jnp.float32)
    zx_sel = jnp.sum(xgz_ref[...] * oneh.reshape(_NROWS, 1, _LANE), axis=2)

    inv_sigt0 = 1.0 / sigt_ref[0, 0]
    inv_sigt1 = 1.0 / sigt_ref[0, 1]
    inv_sigt2 = 1.0 / sigt_ref[0, 2]
    wl_sal = wlt_ref[0:1, :] * inv_sigt0
    wl_tn = wlt_ref[1:2, :] * inv_sigt1
    wl_cum = wlt_ref[2:3, :] * inv_sigt2

    z = zx_sel
    z = z + selsal_ref[...] * wl_sal
    z = z + (idxt.astype(jnp.float32) * (1.0 / _T)) * wl_tn
    z = z + (selcum_ref[...] * (1.0 / _T)) * wl_cum

    mean_sal = stats_ref[:, 0:1]
    mean_cum = stats_ref[:, 1:2]
    mean_tn = (_T - 1.0) / (2.0 * _T)
    mxs = (sumxt_ref[...] * (1.0 / _T) + mux_ref[...]) / sigx_ref[...]
    c = lax.dot_general(mxs, wlx_ref[...], (((0,), (0,)), ((), ())),
                        preferred_element_type=jnp.float32)
    c = c + (mean_sal + mut_ref[0, 0]) * wl_sal
    c = c + (mean_tn + mut_ref[0, 1]) * wl_tn
    c = c + (mean_cum + mut_ref[0, 2]) * wl_cum
    c_exp = jnp.broadcast_to(c[:, None, :], (_B, _K, _LIFT)).reshape(
        _NROWS, _LIFT)

    z = z - c_exp
    nrm = jnp.sqrt(jnp.sum(z * z, axis=1, keepdims=True))
    zn = z / (nrm + 1e-6)
    out_ref[...] = jnp.dot(zn, wproj_ref[...],
                           preferred_element_type=jnp.float32) + bproj_ref[...]


def _k4(xgz, selsal, selcum, idxt, sumxt, stats, w_lift, mu, sigma, w_proj,
        b_proj):
    return pl.pallas_call(
        _k4_body,
        out_shape=jax.ShapeDtypeStruct((_NROWS, _DM), jnp.float32),
    )(xgz.reshape(_NROWS, _LIFT, _LANE),
      selsal.reshape(_NROWS, 1), selcum.reshape(_NROWS, 1),
      idxt.reshape(_NROWS, 1), sumxt, stats,
      w_lift[:_IN, :], w_lift[_IN:, :],
      mu[:_IN].reshape(_IN, 1), mu[_IN:].reshape(1, 3),
      sigma[:_IN].reshape(_IN, 1), sigma[_IN:].reshape(1, 3),
      w_proj, b_proj.reshape(1, _DM))


def kernel(x, W1, b1, W2, b2, W_lift, W_proj, b_proj, mu, sigma):
    xt = jnp.transpose(x, (0, 2, 1))
    sal, zx, sumxt = _k1(xt, W1, b1, W2, b2, W_lift, sigma)
    ys, idxt, idxr, selsal, selcum, stats = _k2(sal)
    xgz = _sc_gather(zx.reshape(_B * _LIFT * _RPB, _LANE), idxr)
    tokens = _k4(xgz, selsal, selcum, idxt, sumxt, stats, W_lift, mu, sigma,
                 W_proj, b_proj)
    return tokens.reshape(_B, _K, _DM), ys

# --- scband reference (transcript-rebuilt; emitter-appended) ---
"""Pipeline reference for scband-topological-encoder-45818711113816 (READ-ONLY COPY).

The authoritative reference and input builder live on the scoring server;
editing this copy changes nothing except your own understanding.
"""

import jax, jax.numpy as jnp
import numpy as np

INPUT_DIM = 64
D_MODEL = 256
HIDDEN = 64
LIFT_K = 16
SEL_K = 8
LAM = 0.5
MAX_PROXY = 16
ANCHOR_DIM = INPUT_DIM + 3
B, T = 32, 8192


def setup_inputs(seed: int = 0) -> dict:
    key = jax.random.key(seed)
    ks = jax.random.split(key, 8)
    x = jax.random.normal(ks[0], (B, T, INPUT_DIM), dtype=jnp.float32)
    W1 = jax.random.normal(ks[1], (INPUT_DIM, HIDDEN), dtype=jnp.float32) * 0.05
    b1 = jnp.zeros((HIDDEN,), dtype=jnp.float32)
    W2 = jax.random.normal(ks[2], (HIDDEN, 1), dtype=jnp.float32) * 0.05
    b2 = jnp.zeros((1,), dtype=jnp.float32)
    W_lift = jax.random.normal(ks[3], (ANCHOR_DIM, LIFT_K), dtype=jnp.float32) * 0.05
    W_proj = jax.random.normal(ks[4], (LIFT_K, D_MODEL), dtype=jnp.float32) * 0.05
    b_proj = jnp.zeros((D_MODEL,), dtype=jnp.float32)
    mu = jnp.zeros((ANCHOR_DIM,), dtype=jnp.float32)
    sigma = jnp.ones((ANCHOR_DIM,), dtype=jnp.float32)
    return {"x": x, "W1": W1, "b1": b1, "W2": W2, "b2": b2,
            "W_lift": W_lift, "W_proj": W_proj, "b_proj": b_proj,
            "mu": mu, "sigma": sigma}


def reference(x, W1, b1, W2, b2, W_lift, W_proj, b_proj, mu, sigma):
    Bb, Tt, _ = x.shape
    # 1. CausalEventModel: per-step MLP -> event scores + saliency
    h = jnp.tanh(x @ W1 + b1)
    event_scores = (h @ W2 + b2)[..., 0]            # [B, T]
    saliency = jax.nn.sigmoid(event_scores)         # [B, T]
    # 2. relaxed selector (QP solved on detached scores in the original ->
    #    detached closed-form budget-constrained relaxation here)
    y_star = jax.lax.stop_gradient(
        jnp.clip(SEL_K * jax.nn.softmax(saliency / LAM, axis=-1), 0.0, 1.0))
    # 3. dense anchor vectors [x | saliency | t_norm | cum_saliency] -> anchor_dim = input_dim + 3
    t_norm = jnp.broadcast_to((jnp.arange(Tt, dtype=x.dtype) / Tt)[None, :, None], (Bb, Tt, 1))
    sal = saliency[..., None]
    cum = (jnp.cumsum(saliency, axis=1) / Tt)[..., None]
    dense = jnp.concatenate([x, sal, t_norm, cum], axis=-1)  # [B, T, anchor_dim]
    # topology projection Pi_top: center the cloud over the sequence axis
    dense = dense - jnp.mean(dense, axis=1, keepdims=True)
    # 4. NormalizedLift: standardize, linear lift to k dims, unit-normalize rows
    z = ((dense - mu) / sigma) @ W_lift              # [B, T, k]
    cloud = z / (jnp.linalg.norm(z, axis=-1, keepdims=True) + 1e-6)
    # 5. top-K anchor selection + projection
    K_eff = min(Tt, MAX_PROXY)
    _, top_idx = jax.lax.top_k(y_star, K_eff)        # [B, K_eff]
    idx = jnp.broadcast_to(top_idx[..., None], (Bb, K_eff, cloud.shape[-1]))
    gathered = jnp.take_along_axis(cloud, idx, axis=1)  # [B, K_eff, k]
    tokens = gathered @ W_proj + b_proj              # [B, K_eff, d_model]
    return tokens, y_star

if __name__ == "__main__":
    import jax
    _d = setup_inputs()
    print(jax.jit(kernel)(*tuple(_d.values())))

</pallas_src>

<mosaic_0001>
#map = affine_map<(d0, d1) -> (0, 0)>
module attributes {stable_mosaic.version = 14 : i64} {
  func.func @gather_kernel(%arg0: i32, %arg1: i32, %arg2: memref<32768x128xf32, #tpu.memory_space<hbm>>, %arg3: memref<32x256xi32, #tpu.memory_space<hbm>>, %arg4: memref<8192x128xf32, #tpu.memory_space<hbm>>, %arg5: memref<256xi32, #tpu.memory_space<vmem>>, %arg6: memref<256x128xf32, #tpu.memory_space<vmem>>, %arg7: memref<!tpu.dma_semaphore, #tpu.memory_space<semaphore_mem>>) attributes {dimension_semantics = [#tpu.dimension_semantics<core_parallel>, #tpu.dimension_semantics<subcore_parallel>], iteration_bounds = array<i64: 2, 16>, scalar_prefetch = 0 : i64, scratch_operands = 3 : i64, tpu.core_type = #tpu.core_type<sc_vector_subcore>, window_params = [{transform_indices = #map}, {transform_indices = #map}, {transform_indices = #map}]} {
    %mul3A = arith.constant 2 : i32
    %mul3A_0 = arith.muli %arg1, %mul3A : i32
    %add3A = arith.addi %mul3A_0, %arg0 : i32
    %mul3A_1 = arith.constant 256 : i32
    %mul3A_2 = arith.muli %add3A, %mul3A_1 : i32
    "tpu.region"() ({
      %run_scoped3A = tpu.sem_alloc : memref<!tpu.dma_semaphore, #tpu.memory_space<semaphore_mem>>
      %dma_start3A_7 = arith.constant 0 : i32
      %dma_start3A_8 = tpu.memref_slice %arg3[%add3A, %dma_start3A_7] : memref<32x256xi32, #tpu.memory_space<hbm>> -> memref<1x256xi32, #tpu.memory_space<hbm>>
      %dma_start3A_9 = tpu.memref_squeeze %dma_start3A_8 : memref<1x256xi32, #tpu.memory_space<hbm>> -> memref<256xi32, #tpu.memory_space<hbm>>
      %dma_start3A_10 = arith.constant 0 : i32
      %dma_start3A_11 = tpu.memref_slice %arg3[%add3A, %dma_start3A_10] : memref<32x256xi32, #tpu.memory_space<hbm>> -> memref<1x256xi32, #tpu.memory_space<hbm>>
      %dma_start3A_12 = tpu.memref_squeeze %dma_start3A_11 : memref<1x256xi32, #tpu.memory_space<hbm>> -> memref<256xi32, #tpu.memory_space<hbm>>
      tpu.enqueue_dma source(%dma_start3A_12 : memref<256xi32, #tpu.memory_space<hbm>>) target(%arg5 : memref<256xi32, #tpu.memory_space<vmem>>) target_semaphore(%run_scoped3A : memref<!tpu.dma_semaphore, #tpu.memory_space<semaphore_mem>>)
      %dma_wait3A_13 = arith.constant 0 : i32
      %dma_wait3A_14 = tpu.memref_slice %arg3[%add3A, %dma_wait3A_13] : memref<32x256xi32, #tpu.memory_space<hbm>> -> memref<1x256xi32, #tpu.memory_space<hbm>>
      %dma_wait3A_15 = tpu.memref_squeeze %dma_wait3A_14 : memref<1x256xi32, #tpu.memory_space<hbm>> -> memref<256xi32, #tpu.memory_space<hbm>>
      %dma_wait3A_16 = arith.constant 0 : i32
      %dma_wait3A_17 = tpu.memref_slice %arg3[%add3A, %dma_wait3A_16] : memref<32x256xi32, #tpu.memory_space<hbm>> -> memref<1x256xi32, #tpu.memory_space<hbm>>
      %dma_wait3A_18 = tpu.memref_squeeze %dma_wait3A_17 : memref<1x256xi32, #tpu.memory_space<hbm>> -> memref<256xi32, #tpu.memory_space<hbm>>
      tpu.wait_dma2 semaphore(%run_scoped3A : memref<!tpu.dma_semaphore, #tpu.memory_space<semaphore_mem>>) src(%dma_wait3A_18 : memref<256xi32, #tpu.memory_space<hbm>>) dst(%arg5 : memref<256xi32, #tpu.memory_space<vmem>>)
      tpu.yield
    }) : () -> ()
    %dma_start3A = arith.constant 0 : i32
    %dma_start3A_3 = arith.constant 0 : i32
    %dma_start3A_4 = tpu.memref_slice %arg2[%dma_start3A, %dma_start3A_3] : memref<32768x128xf32, #tpu.memory_space<hbm>> -> memref<32768x128xf32, #tpu.memory_space<hbm>>
    tpu.enqueue_indirect_dma source(%dma_start3A_4 : memref<32768x128xf32, #tpu.memory_space<hbm>>) target(%arg6 : memref<256x128xf32, #tpu.memory_space<vmem>>) offsets(%arg5 : memref<256xi32, #tpu.memory_space<vmem>>) semaphore(%arg7 : memref<!tpu.dma_semaphore, #tpu.memory_space<semaphore_mem>>)
    %dma_wait3A = arith.constant 0 : i32
    %dma_wait3A_5 = arith.constant 0 : i32
    %dma_wait3A_6 = tpu.memref_slice %arg2[%dma_wait3A, %dma_wait3A_5] : memref<32768x128xf32, #tpu.memory_space<hbm>> -> memref<32768x128xf32, #tpu.memory_space<hbm>>
    tpu.wait_indirect_dma semaphore(%arg7 : memref<!tpu.dma_semaphore, #tpu.memory_space<semaphore_mem>>) src(%dma_wait3A_6 : memref<32768x128xf32, #tpu.memory_space<hbm>>) dst(%arg6 : memref<256x128xf32, #tpu.memory_space<vmem>>)
    "tpu.region"() ({
      %run_scoped3A = tpu.sem_alloc : memref<!tpu.dma_semaphore, #tpu.memory_space<semaphore_mem>>
      %dma_start3A_7 = arith.constant 0 : i32
      %dma_start3A_8 = tpu.memref_slice %arg4[%mul3A_2, %dma_start3A_7] : memref<8192x128xf32, #tpu.memory_space<hbm>> -> memref<256x128xf32, #tpu.memory_space<hbm>>
      %dma_start3A_9 = arith.constant 0 : i32
      %dma_start3A_10 = tpu.memref_slice %arg4[%mul3A_2, %dma_start3A_9] : memref<8192x128xf32, #tpu.memory_space<hbm>> -> memref<256x128xf32, #tpu.memory_space<hbm>>
      tpu.enqueue_dma source(%arg6 : memref<256x128xf32, #tpu.memory_space<vmem>>) target(%dma_start3A_10 : memref<256x128xf32, #tpu.memory_space<hbm>>) target_semaphore(%run_scoped3A : memref<!tpu.dma_semaphore, #tpu.memory_space<semaphore_mem>>)
      %dma_wait3A_11 = arith.constant 0 : i32
      %dma_wait3A_12 = tpu.memref_slice %arg4[%mul3A_2, %dma_wait3A_11] : memref<8192x128xf32, #tpu.memory_space<hbm>> -> memref<256x128xf32, #tpu.memory_space<hbm>>
      %dma_wait3A_13 = arith.constant 0 : i32
      %dma_wait3A_14 = tpu.memref_slice %arg4[%mul3A_2, %dma_wait3A_13] : memref<8192x128xf32, #tpu.memory_space<hbm>> -> memref<256x128xf32, #tpu.memory_space<hbm>>
      tpu.wait_dma2 semaphore(%run_scoped3A : memref<!tpu.dma_semaphore, #tpu.memory_space<semaphore_mem>>) src(%arg6 : memref<256x128xf32, #tpu.memory_space<vmem>>) dst(%dma_wait3A_14 : memref<256x128xf32, #tpu.memory_space<hbm>>)
      tpu.yield
    }) : () -> ()
    return
  }
}

module attributes {stable_mosaic.version = 14 : i64} {
  func.func @_k2_body(%arg0: memref<32x8192xf32, #tpu.memory_space<vmem>>, %arg1: memref<32x8192xf32, #tpu.memory_space<vmem>>, %arg2: memref<32x16xi32, #tpu.memory_space<vmem>>, %arg3: memref<32x256xi32, #tpu.memory_space<vmem>>, %arg4: memref<32x16xf32, #tpu.memory_space<vmem>>, %arg5: memref<32x16xf32, #tpu.memory_space<vmem>>, %arg6: memref<32x2xf32, #tpu.memory_space<vmem>>) attributes {dimension_semantics = [], scalar_prefetch = 0 : i64, scratch_operands = 0 : i64, tpu.core_type = #tpu.core_type<tc>} {
    %get3A = arith.constant 0 : index
    %get3A_0 = arith.constant 0 : index
    %get3A_1 = vector.load %arg0[%get3A, %get3A_0] : memref<32x8192xf32, #tpu.memory_space<vmem>>, vector<32x8192xf32>
    %mul3A = arith.constant 2.000000e+00 : f32
    %mul3A_2 = vector.broadcast %mul3A : f32 to vector<32x8192xf32>
    %mul3A_3 = arith.mulf %get3A_1, %mul3A_2 : vector<32x8192xf32>
    %reduce_max3A = arith.constant dense<0xFF800000> : vector<32xf32>
    %reduce_max3A_4 = vector.multi_reduction <maximumf>, %mul3A_3, %reduce_max3A [1] : vector<32x8192xf32> to vector<32xf32>
    %broadcast_in_dim3A = vector.shape_cast %reduce_max3A_4 : vector<32xf32> to vector<32x1xf32>
    %sub3A = vector.broadcast %broadcast_in_dim3A : vector<32x1xf32> to vector<32x8192xf32>
    %sub3A_5 = arith.subf %mul3A_3, %sub3A : vector<32x8192xf32>
    %exp3A = math.exp %sub3A_5 : vector<32x8192xf32>
    %reduce_sum3A = arith.constant dense<0.000000e+00> : vector<32xf32>
    %reduce_sum3A_6 = vector.multi_reduction <add>, %exp3A, %reduce_sum3A [1] : vector<32x8192xf32> to vector<32xf32>
    %broadcast_in_dim3A_7 = vector.shape_cast %reduce_sum3A_6 : vector<32xf32> to vector<32x1xf32>
    %div3A = vector.broadcast %broadcast_in_dim3A_7 : vector<32x1xf32> to vector<32x8192xf32>
    %div3A_8 = arith.divf %exp3A, %div3A : vector<32x8192xf32>
    %mul3A_9 = arith.constant 8.000000e+00 : f32
    %mul3A_10 = vector.broadcast %mul3A_9 : f32 to vector<32x8192xf32>
    %mul3A_11 = arith.mulf %mul3A_10, %div3A_8 : vector<32x8192xf32>
    %jit3A = arith.constant 0.000000e+00 : f32
    %jit3A_12 = arith.constant 1.000000e+00 : f32
    %max3A = vector.broadcast %jit3A : f32 to vector<32x8192xf32>
    %max3A_13 = arith.maximumf %max3A, %mul3A_11 : vector<32x8192xf32>
    %min3A = vector.broadcast %jit3A_12 : f32 to vector<32x8192xf32>
    %min3A_14 = arith.minimumf %min3A, %max3A_13 : vector<32x8192xf32>
    %swap3A = arith.constant 0 : index
    %swap3A_15 = arith.constant 0 : index
    %swap3A_16 = vector.load %arg1[%swap3A, %swap3A_15] : memref<32x8192xf32, #tpu.memory_space<vmem>>, vector<32x8192xf32>
    tpu.vector_store %arg1[%swap3A, %swap3A_15], %min3A_14 {strides = array<i32>} : memref<32x8192xf32, #tpu.memory_space<vmem>>, vector<32x8192xf32>,
    %iota3A = tpu.iota {dimensions = array<i32: 1>} : vector<32x8192xi32>
    %convert_element_type3A = arith.sitofp %iota3A : vector<32x8192xi32> to vector<32x8192xf32>
    %reduce_sum3A_17 = arith.constant dense<0.000000e+00> : vector<32xf32>
    %reduce_sum3A_18 = vector.multi_reduction <add>, %get3A_1, %reduce_sum3A_17 [1] : vector<32x8192xf32> to vector<32xf32>
    %broadcast_in_dim3A_19 = vector.shape_cast %reduce_sum3A_18 : vector<32xf32> to vector<32x1xf32>
    %sub3A_20 = arith.constant 8.192000e+03 : f32
    %sub3A_21 = vector.broadcast %sub3A_20 : f32 to vector<32x8192xf32>
    %sub3A_22 = arith.subf %sub3A_21, %convert_element_type3A : vector<32x8192xf32>
    %mul3A_23 = arith.mulf %get3A_1, %sub3A_22 : vector<32x8192xf32>
    %reduce_sum3A_24 = arith.constant dense<0.000000e+00> : vector<32xf32>
    %reduce_sum3A_25 = vector.multi_reduction <add>, %mul3A_23, %reduce_sum3A_24 [1] : vector<32x8192xf32> to vector<32xf32>
    %broadcast_in_dim3A_26 = vector.shape_cast %reduce_sum3A_25 : vector<32xf32> to vector<32x1xf32>
    %mul3A_27 = arith.constant 1.22070313E-4 : f32
    %mul3A_28 = vector.broadcast %mul3A_27 : f32 to vector<32x1xf32>
    %mul3A_29 = arith.mulf %broadcast_in_dim3A_19, %mul3A_28 : vector<32x1xf32>
    %mul3A_30 = arith.constant 1.49011612E-8 : f32
    %mul3A_31 = vector.broadcast %mul3A_30 : f32 to vector<32x1xf32>
    %mul3A_32 = arith.mulf %broadcast_in_dim3A_26, %mul3A_31 : vector<32x1xf32>
    %concatenate3A = tpu.concatenate %mul3A_29, %mul3A_32 in 1 : vector<32x1xf32>, vector<32x1xf32> -> vector<32x2xf32>
    %swap3A_33 = arith.constant 0 : index
    %swap3A_34 = arith.constant 0 : index
    %swap3A_35 = vector.load %arg6[%swap3A_33, %swap3A_34] : memref<32x2xf32, #tpu.memory_space<vmem>>, vector<32x2xf32>
    tpu.vector_store %arg6[%swap3A_33, %swap3A_34], %concatenate3A {strides = array<i32>} : memref<32x2xf32, #tpu.memory_space<vmem>>, vector<32x2xf32>,
    %iota3A_36 = tpu.iota {dimensions = array<i32: 0>} : vector<32x1xi32>
    %iota3A_37 = tpu.iota {dimensions = array<i32: 1>} : vector<1x16xi32>
    %mul3A_38 = arith.constant 16 : i32
    %mul3A_39 = vector.broadcast %mul3A_38 : i32 to vector<32x1xi32>
    %mul3A_40 = arith.muli %iota3A_36, %mul3A_39 : vector<32x1xi32>
    %add3A = vector.broadcast %mul3A_40 : vector<32x1xi32> to vector<32x16xi32>
    %add3A_41 = vector.broadcast %iota3A_37 : vector<1x16xi32> to vector<32x16xi32>
    %add3A_42 = arith.addi %add3A, %add3A_41 : vector<32x16xi32>
    %mul3A_43 = arith.constant 64 : i32
    %mul3A_44 = vector.broadcast %mul3A_43 : i32 to vector<32x16xi32>
    %mul3A_45 = arith.muli %add3A_42, %mul3A_44 : vector<32x16xi32>
    %reduce_max3A_46 = arith.constant dense<0xFF800000> : vector<32xf32>
    %reduce_max3A_47 = vector.multi_reduction <maximumf>, %min3A_14, %reduce_max3A_46 [1] : vector<32x8192xf32> to vector<32xf32>
    %broadcast_in_dim3A_48 = vector.shape_cast %reduce_max3A_47 : vector<32xf32> to vector<32x1xf32>
    %eq3A = vector.broadcast %broadcast_in_dim3A_48 : vector<32x1xf32> to vector<32x8192xf32>
    %eq3A_49 = arith.cmpf oeq, %min3A_14, %eq3A : vector<32x8192xf32>
    %jit3A_50 = arith.constant 8192 : i32
    %broadcast_in_dim3A_51 = vector.broadcast %jit3A_50 : i32 to vector<32x8192xi32>
    %select_n3A = arith.select %eq3A_49, %iota3A, %broadcast_in_dim3A_51 : vector<32x8192xi1>, vector<32x8192xi32>
    %reduce_min3A = arith.constant dense<2147483647> : vector<32xi32>
    %reduce_min3A_52 = vector.multi_reduction <minsi>, %select_n3A, %reduce_min3A [1] : vector<32x8192xi32> to vector<32xi32>
    %broadcast_in_dim3A_53 = vector.shape_cast %reduce_min3A_52 : vector<32xi32> to vector<32x1xi32>
    %eq3A_54 = vector.broadcast %broadcast_in_dim3A_53 : vector<32x1xi32> to vector<32x8192xi32>
    %eq3A_55 = arith.cmpi eq, %iota3A, %eq3A_54 : vector<32x8192xi32>
    %jit3A_56 = arith.constant 0.000000e+00 : f32
    %broadcast_in_dim3A_57 = vector.broadcast %jit3A_56 : f32 to vector<32x8192xf32>
    %select_n3A_58 = arith.select %eq3A_55, %get3A_1, %broadcast_in_dim3A_57 : vector<32x8192xi1>, vector<32x8192xf32>
    %reduce_sum3A_59 = arith.constant dense<0.000000e+00> : vector<32xf32>
    %reduce_sum3A_60 = vector.multi_reduction <add>, %select_n3A_58, %reduce_sum3A_59 [1] : vector<32x8192xf32> to vector<32xf32>
    %broadcast_in_dim3A_61 = vector.shape_cast %reduce_sum3A_60 : vector<32xf32> to vector<32x1xf32>
    %le3A = vector.broadcast %broadcast_in_dim3A_53 : vector<32x1xi32> to vector<32x8192xi32>
    %le3A_62 = arith.cmpi sle, %iota3A, %le3A : vector<32x8192xi32>
    %jit3A_63 = arith.constant 0.000000e+00 : f32
    %broadcast_in_dim3A_64 = vector.broadcast %jit3A_63 : f32 to vector<32x8192xf32>
    %select_n3A_65 = arith.select %le3A_62, %get3A_1, %broadcast_in_dim3A_64 : vector<32x8192xi1>, vector<32x8192xf32>
    %reduce_sum3A_66 = arith.constant dense<0.000000e+00> : vector<32xf32>
    %reduce_sum3A_67 = vector.multi_reduction <add>, %select_n3A_65, %reduce_sum3A_66 [1] : vector<32x8192xf32> to vector<32xf32>
    %broadcast_in_dim3A_68 = vector.shape_cast %reduce_sum3A_67 : vector<32xf32> to vector<32x1xf32>
    %shift_right_arithmetic3A = arith.constant 7 : i32
    %shift_right_arithmetic3A_69 = vector.broadcast %shift_right_arithmetic3A : i32 to vector<32x1xi32>
    %shift_right_arithmetic3A_70 = arith.shrsi %broadcast_in_dim3A_53, %shift_right_arithmetic3A_69 : vector<32x1xi32>
    %add3A_71 = vector.broadcast %shift_right_arithmetic3A_70 : vector<32x1xi32> to vector<32x16xi32>
    %add3A_72 = arith.addi %mul3A_45, %add3A_71 : vector<32x16xi32>
    %jit3A_73 = arith.constant -1.000000e+00 : f32
    %broadcast_in_dim3A_74 = vector.broadcast %jit3A_73 : f32 to vector<32x8192xf32>
    %select_n3A_75 = arith.select %eq3A_55, %broadcast_in_dim3A_74, %min3A_14 : vector<32x8192xi1>, vector<32x8192xf32>
    %reduce_max3A_76 = arith.constant dense<0xFF800000> : vector<32xf32>
    %reduce_max3A_77 = vector.multi_reduction <maximumf>, %select_n3A_75, %reduce_max3A_76 [1] : vector<32x8192xf32> to vector<32xf32>
    %broadcast_in_dim3A_78 = vector.shape_cast %reduce_max3A_77 : vector<32xf32> to vector<32x1xf32>
    %eq3A_79 = vector.broadcast %broadcast_in_dim3A_78 : vector<32x1xf32> to vector<32x8192xf32>
    %eq3A_80 = arith.cmpf oeq, %select_n3A_75, %eq3A_79 : vector<32x8192xf32>
    %jit3A_81 = arith.constant 8192 : i32
    %broadcast_in_dim3A_82 = vector.broadcast %jit3A_81 : i32 to vector<32x8192xi32>
    %select_n3A_83 = arith.select %eq3A_80, %iota3A, %broadcast_in_dim3A_82 : vector<32x8192xi1>, vector<32x8192xi32>
    %reduce_min3A_84 = arith.constant dense<2147483647> : vector<32xi32>
    %reduce_min3A_85 = vector.multi_reduction <minsi>, %select_n3A_83, %reduce_min3A_84 [1] : vector<32x8192xi32> to vector<32xi32>
    %broadcast_in_dim3A_86 = vector.shape_cast %reduce_min3A_85 : vector<32xi32> to vector<32x1xi32>
    %eq3A_87 = vector.broadcast %broadcast_in_dim3A_86 : vector<32x1xi32> to vector<32x8192xi32>
    %eq3A_88 = arith.cmpi eq, %iota3A, %eq3A_87 : vector<32x8192xi32>
    %jit3A_89 = arith.constant 0.000000e+00 : f32
    %broadcast_in_dim3A_90 = vector.broadcast %jit3A_89 : f32 to vector<32x8192xf32>
    %select_n3A_91 = arith.select %eq3A_88, %get3A_1, %broadcast_in_dim3A_90 : vector<32x8192xi1>, vector<32x8192xf32>
    %reduce_sum3A_92 = arith.constant dense<0.000000e+00> : vector<32xf32>
    %reduce_sum3A_93 = vector.multi_reduction <add>, %select_n3A_91, %reduce_sum3A_92 [1] : vector<32x8192xf32> to vector<32xf32>
    %broadcast_in_dim3A_94 = vector.shape_cast %reduce_sum3A_93 : vector<32xf32> to vector<32x1xf32>
    %le3A_95 = vector.broadcast %broadcast_in_dim3A_86 : vector<32x1xi32> to vector<32x8192xi32>
    %le3A_96 = arith.cmpi sle, %iota3A, %le3A_95 : vector<32x8192xi32>
    %jit3A_97 = arith.constant 0.000000e+00 : f32
    %broadcast_in_dim3A_98 = vector.broadcast %jit3A_97 : f32 to vector<32x8192xf32>
    %select_n3A_99 = arith.select %le3A_96, %get3A_1, %broadcast_in_dim3A_98 : vector<32x8192xi1>, vector<32x8192xf32>
    %reduce_sum3A_100 = arith.constant dense<0.000000e+00> : vector<32xf32>
    %reduce_sum3A_101 = vector.multi_reduction <add>, %select_n3A_99, %reduce_sum3A_100 [1] : vector<32x8192xf32> to vector<32xf32>
    %broadcast_in_dim3A_102 = vector.shape_cast %reduce_sum3A_101 : vector<32xf32> to vector<32x1xf32>
    %shift_right_arithmetic3A_103 = arith.constant 7 : i32
    %shift_right_arithmetic3A_104 = vector.broadcast %shift_right_arithmetic3A_103 : i32 to vector<32x1xi32>
    %shift_right_arithmetic3A_105 = arith.shrsi %broadcast_in_dim3A_86, %shift_right_arithmetic3A_104 : vector<32x1xi32>
    %add3A_106 = vector.broadcast %shift_right_arithmetic3A_105 : vector<32x1xi32> to vector<32x16xi32>
    %add3A_107 = arith.addi %mul3A_45, %add3A_106 : vector<32x16xi32>
    %jit3A_108 = arith.constant -1.000000e+00 : f32
    %broadcast_in_dim3A_109 = vector.broadcast %jit3A_108 : f32 to vector<32x8192xf32>
    %select_n3A_110 = arith.select %eq3A_88, %broadcast_in_dim3A_109, %select_n3A_75 : vector<32x8192xi1>, vector<32x8192xf32>
    %reduce_max3A_111 = arith.constant dense<0xFF800000> : vector<32xf32>
    %reduce_max3A_112 = vector.multi_reduction <maximumf>, %select_n3A_110, %reduce_max3A_111 [1] : vector<32x8192xf32> to vector<32xf32>
    %broadcast_in_dim3A_113 = vector.shape_cast %reduce_max3A_112 : vector<32xf32> to vector<32x1xf32>
    %eq3A_114 = vector.broadcast %broadcast_in_dim3A_113 : vector<32x1xf32> to vector<32x8192xf32>
    %eq3A_115 = arith.cmpf oeq, %select_n3A_110, %eq3A_114 : vector<32x8192xf32>
    %jit3A_116 = arith.constant 8192 : i32
    %broadcast_in_dim3A_117 = vector.broadcast %jit3A_116 : i32 to vector<32x8192xi32>
    %select_n3A_118 = arith.select %eq3A_115, %iota3A, %broadcast_in_dim3A_117 : vector<32x8192xi1>, vector<32x8192xi32>
    %reduce_min3A_119 = arith.constant dense<2147483647> : vector<32xi32>
    %reduce_min3A_120 = vector.multi_reduction <minsi>, %select_n3A_118, %reduce_min3A_119 [1] : vector<32x8192xi32> to vector<32xi32>
    %broadcast_in_dim3A_121 = vector.shape_cast %reduce_min3A_120 : vector<32xi32> to vector<32x1xi32>
    %eq3A_122 = vector.broadcast %broadcast_in_dim3A_121 : vector<32x1xi32> to vector<32x8192xi32>
    %eq3A_123 = arith.cmpi eq, %iota3A, %eq3A_122 : vector<32x8192xi32>
    %jit3A_124 = arith.constant 0.000000e+00 : f32
    %broadcast_in_dim3A_125 = vector.broadcast %jit3A_124 : f32 to vector<32x8192xf32>
    %select_n3A_126 = arith.select %eq3A_123, %get3A_1, %broadcast_in_dim3A_125 : vector<32x8192xi1>, vector<32x8192xf32>
    %reduce_sum3A_127 = arith.constant dense<0.000000e+00> : vector<32xf32>
    %reduce_sum3A_128 = vector.multi_reduction <add>, %select_n3A_126, %reduce_sum3A_127 [1] : vector<32x8192xf32> to vector<32xf32>
    %broadcast_in_dim3A_129 = vector.shape_cast %reduce_sum3A_128 : vector<32xf32> to vector<32x1xf32>
    %le3A_130 = vector.broadcast %broadcast_in_dim3A_121 : vector<32x1xi32> to vector<32x8192xi32>
    %le3A_131 = arith.cmpi sle, %iota3A, %le3A_130 : vector<32x8192xi32>
    %jit3A_132 = arith.constant 0.000000e+00 : f32
    %broadcast_in_dim3A_133 = vector.broadcast %jit3A_132 : f32 to vector<32x8192xf32>
    %select_n3A_134 = arith.select %le3A_131, %get3A_1, %broadcast_in_dim3A_133 : vector<32x8192xi1>, vector<32x8192xf32>
    %reduce_sum3A_135 = arith.constant dense<0.000000e+00> : vector<32xf32>
    %reduce_sum3A_136 = vector.multi_reduction <add>, %select_n3A_134, %reduce_sum3A_135 [1] : vector<32x8192xf32> to vector<32xf32>
    %broadcast_in_dim3A_137 = vector.shape_cast %reduce_sum3A_136 : vector<32xf32> to vector<32x1xf32>
    %shift_right_arithmetic3A_138 = arith.constant 7 : i32
    %shift_right_arithmetic3A_139 = vector.broadcast %shift_right_arithmetic3A_138 : i32 to vector<32x1xi32>
    %shift_right_arithmetic3A_140 = arith.shrsi %broadcast_in_dim3A_121, %shift_right_arithmetic3A_139 : vector<32x1xi32>
    %add3A_141 = vector.broadcast %shift_right_arithmetic3A_140 : vector<32x1xi32> to vector<32x16xi32>
    %add3A_142 = arith.addi %mul3A_45, %add3A_141 : vector<32x16xi32>
    %jit3A_143 = arith.constant -1.000000e+00 : f32
    %broadcast_in_dim3A_144 = vector.broadcast %jit3A_143 : f32 to vector<32x8192xf32>
    %select_n3A_145 = arith.select %eq3A_123, %broadcast_in_dim3A_144, %select_n3A_110 : vector<32x8192xi1>, vector<32x8192xf32>
    %reduce_max3A_146 = arith.constant dense<0xFF800000> : vector<32xf32>
    %reduce_max3A_147 = vector.multi_reduction <maximumf>, %select_n3A_145, %reduce_max3A_146 [1] : vector<32x8192xf32> to vector<32xf32>
    %broadcast_in_dim3A_148 = vector.shape_cast %reduce_max3A_147 : vector<32xf32> to vector<32x1xf32>
    %eq3A_149 = vector.broadcast %broadcast_in_dim3A_148 : vector<32x1xf32> to vector<32x8192xf32>
    %eq3A_150 = arith.cmpf oeq, %select_n3A_145, %eq3A_149 : vector<32x8192xf32>
    %jit3A_151 = arith.constant 8192 : i32
    %broadcast_in_dim3A_152 = vector.broadcast %jit3A_151 : i32 to vector<32x8192xi32>
    %select_n3A_153 = arith.select %eq3A_150, %iota3A, %broadcast_in_dim3A_152 : vector<32x8192xi1>, vector<32x8192xi32>
    %reduce_min3A_154 = arith.constant dense<2147483647> : vector<32xi32>
    %reduce_min3A_155 = vector.multi_reduction <minsi>, %select_n3A_153, %reduce_min3A_154 [1] : vector<32x8192xi32> to vector<32xi32>
    %broadcast_in_dim3A_156 = vector.shape_cast %reduce_min3A_155 : vector<32xi32> to vector<32x1xi32>
    %eq3A_157 = vector.broadcast %broadcast_in_dim3A_156 : vector<32x1xi32> to vector<32x8192xi32>
    %eq3A_158 = arith.cmpi eq, %iota3A, %eq3A_157 : vector<32x8192xi32>
    %jit3A_159 = arith.constant 0.000000e+00 : f32
    %broadcast_in_dim3A_160 = vector.broadcast %jit3A_159 : f32 to vector<32x8192xf32>
    %select_n3A_161 = arith.select %eq3A_158, %get3A_1, %broadcast_in_dim3A_160 : vector<32x8192xi1>, vector<32x8192xf32>
    %reduce_sum3A_162 = arith.constant dense<0.000000e+00> : vector<32xf32>
    %reduce_sum3A_163 = vector.multi_reduction <add>, %select_n3A_161, %reduce_sum3A_162 [1] : vector<32x8192xf32> to vector<32xf32>
    %broadcast_in_dim3A_164 = vector.shape_cast %reduce_sum3A_163 : vector<32xf32> to vector<32x1xf32>
    %le3A_165 = vector.broadcast %broadcast_in_dim3A_156 : vector<32x1xi32> to vector<32x8192xi32>
    %le3A_166 = arith.cmpi sle, %iota3A, %le3A_165 : vector<32x8192xi32>
    %jit3A_167 = arith.constant 0.000000e+00 : f32
    %broadcast_in_dim3A_168 = vector.broadcast %jit3A_167 : f32 to vector<32x8192xf32>
    %select_n3A_169 = arith.select %le3A_166, %get3A_1, %broadcast_in_dim3A_168 : vector<32x8192xi1>, vector<32x8192xf32>
    %reduce_sum3A_170 = arith.constant dense<0.000000e+00> : vector<32xf32>
    %reduce_sum3A_171 = vector.multi_reduction <add>, %select_n3A_169, %reduce_sum3A_170 [1] : vector<32x8192xf32> to vector<32xf32>
    %broadcast_in_dim3A_172 = vector.shape_cast %reduce_sum3A_171 : vector<32xf32> to vector<32x1xf32>
    %shift_right_arithmetic3A_173 = arith.constant 7 : i32
    %shift_right_arithmetic3A_174 = vector.broadcast %shift_right_arithmetic3A_173 : i32 to vector<32x1xi32>
    %shift_right_arithmetic3A_175 = arith.shrsi %broadcast_in_dim3A_156, %shift_right_arithmetic3A_174 : vector<32x1xi32>
    %add3A_176 = vector.broadcast %shift_right_arithmetic3A_175 : vector<32x1xi32> to vector<32x16xi32>
    %add3A_177 = arith.addi %mul3A_45, %add3A_176 : vector<32x16xi32>
    %jit3A_178 = arith.constant -1.000000e+00 : f32
    %broadcast_in_dim3A_179 = vector.broadcast %jit3A_178 : f32 to vector<32x8192xf32>
    %select_n3A_180 = arith.select %eq3A_158, %broadcast_in_dim3A_179, %select_n3A_145 : vector<32x8192xi1>, vector<32x8192xf32>
    %reduce_max3A_181 = arith.constant dense<0xFF800000> : vector<32xf32>
    %reduce_max3A_182 = vector.multi_reduction <maximumf>, %select_n3A_180, %reduce_max3A_181 [1] : vector<32x8192xf32> to vector<32xf32>
    %broadcast_in_dim3A_183 = vector.shape_cast %reduce_max3A_182 : vector<32xf32> to vector<32x1xf32>
    %eq3A_184 = vector.broadcast %broadcast_in_dim3A_183 : vector<32x1xf32> to vector<32x8192xf32>
    %eq3A_185 = arith.cmpf oeq, %select_n3A_180, %eq3A_184 : vector<32x8192xf32>
    %jit3A_186 = arith.constant 8192 : i32
    %broadcast_in_dim3A_187 = vector.broadcast %jit3A_186 : i32 to vector<32x8192xi32>
    %select_n3A_188 = arith.select %eq3A_185, %iota3A, %broadcast_in_dim3A_187 : vector<32x8192xi1>, vector<32x8192xi32>
    %reduce_min3A_189 = arith.constant dense<2147483647> : vector<32xi32>
    %reduce_min3A_190 = vector.multi_reduction <minsi>, %select_n3A_188, %reduce_min3A_189 [1] : vector<32x8192xi32> to vector<32xi32>
    %broadcast_in_dim3A_191 = vector.shape_cast %reduce_min3A_190 : vector<32xi32> to vector<32x1xi32>
    %eq3A_192 = vector.broadcast %broadcast_in_dim3A_191 : vector<32x1xi32> to vector<32x8192xi32>
    %eq3A_193 = arith.cmpi eq, %iota3A, %eq3A_192 : vector<32x8192xi32>
    %jit3A_194 = arith.constant 0.000000e+00 : f32
    %broadcast_in_dim3A_195 = vector.broadcast %jit3A_194 : f32 to vector<32x8192xf32>
    %select_n3A_196 = arith.select %eq3A_193, %get3A_1, %broadcast_in_dim3A_195 : vector<32x8192xi1>, vector<32x8192xf32>
    %reduce_sum3A_197 = arith.constant dense<0.000000e+00> : vector<32xf32>
    %reduce_sum3A_198 = vector.multi_reduction <add>, %select_n3A_196, %reduce_sum3A_197 [1] : vector<32x8192xf32> to vector<32xf32>
    %broadcast_in_dim3A_199 = vector.shape_cast %reduce_sum3A_198 : vector<32xf32> to vector<32x1xf32>
    %le3A_200 = vector.broadcast %broadcast_in_dim3A_191 : vector<32x1xi32> to vector<32x8192xi32>
    %le3A_201 = arith.cmpi sle, %iota3A, %le3A_200 : vector<32x8192xi32>
    %jit3A_202 = arith.constant 0.000000e+00 : f32
    %broadcast_in_dim3A_203 = vector.broadcast %jit3A_202 : f32 to vector<32x8192xf32>
    %select_n3A_204 = arith.select %le3A_201, %get3A_1, %broadcast_in_dim3A_203 : vector<32x8192xi1>, vector<32x8192xf32>
    %reduce_sum3A_205 = arith.constant dense<0.000000e+00> : vector<32xf32>
    %reduce_sum3A_206 = vector.multi_reduction <add>, %select_n3A_204, %reduce_sum3A_205 [1] : vector<32x8192xf32> to vector<32xf32>
    %broadcast_in_dim3A_207 = vector.shape_cast %reduce_sum3A_206 : vector<32xf32> to vector<32x1xf32>
    %shift_right_arithmetic3A_208 = arith.constant 7 : i32
    %shift_right_arithmetic3A_209 = vector.broadcast %shift_right_arithmetic3A_208 : i32 to vector<32x1xi32>
    %shift_right_arithmetic3A_210 = arith.shrsi %broadcast_in_dim3A_191, %shift_right_arithmetic3A_209 : vector<32x1xi32>
    %add3A_211 = vector.broadcast %shift_right_arithmetic3A_210 : vector<32x1xi32> to vector<32x16xi32>
    %add3A_212 = arith.addi %mul3A_45, %add3A_211 : vector<32x16xi32>
    %jit3A_213 = arith.constant -1.000000e+00 : f32
    %broadcast_in_dim3A_214 = vector.broadcast %jit3A_213 : f32 to vector<32x8192xf32>
    %select_n3A_215 = arith.select %eq3A_193, %broadcast_in_dim3A_214, %select_n3A_180 : vector<32x8192xi1>, vector<32x8192xf32>
    %reduce_max3A_216 = arith.constant dense<0xFF800000> : vector<32xf32>
    %reduce_max3A_217 = vector.multi_reduction <maximumf>, %select_n3A_215, %reduce_max3A_216 [1] : vector<32x8192xf32> to vector<32xf32>
    %broadcast_in_dim3A_218 = vector.shape_cast %reduce_max3A_217 : vector<32xf32> to vector<32x1xf32>
    %eq3A_219 = vector.broadcast %broadcast_in_dim3A_218 : vector<32x1xf32> to vector<32x8192xf32>
    %eq3A_220 = arith.cmpf oeq, %select_n3A_215, %eq3A_219 : vector<32x8192xf32>
    %jit3A_221 = arith.constant 8192 : i32
    %broadcast_in_dim3A_222 = vector.broadcast %jit3A_221 : i32 to vector<32x8192xi32>
    %select_n3A_223 = arith.select %eq3A_220, %iota3A, %broadcast_in_dim3A_222 : vector<32x8192xi1>, vector<32x8192xi32>
    %reduce_min3A_224 = arith.constant dense<2147483647> : vector<32xi32>
    %reduce_min3A_225 = vector.multi_reduction <minsi>, %select_n3A_223, %reduce_min3A_224 [1] : vector<32x8192xi32> to vector<32xi32>
    %broadcast_in_dim3A_226 = vector.shape_cast %reduce_min3A_225 : vector<32xi32> to vector<32x1xi32>
    %eq3A_227 = vector.broadcast %broadcast_in_dim3A_226 : vector<32x1xi32> to vector<32x8192xi32>
    %eq3A_228 = arith.cmpi eq, %iota3A, %eq3A_227 : vector<32x8192xi32>
    %jit3A_229 = arith.constant 0.000000e+00 : f32
    %broadcast_in_dim3A_230 = vector.broadcast %jit3A_229 : f32 to vector<32x8192xf32>
    %select_n3A_231 = arith.select %eq3A_228, %get3A_1, %broadcast_in_dim3A_230 : vector<32x8192xi1>, vector<32x8192xf32>
    %reduce_sum3A_232 = arith.constant dense<0.000000e+00> : vector<32xf32>
    %reduce_sum3A_233 = vector.multi_reduction <add>, %select_n3A_231, %reduce_sum3A_232 [1] : vector<32x8192xf32> to vector<32xf32>
    %broadcast_in_dim3A_234 = vector.shape_cast %reduce_sum3A_233 : vector<32xf32> to vector<32x1xf32>
    %le3A_235 = vector.broadcast %broadcast_in_dim3A_226 : vector<32x1xi32> to vector<32x8192xi32>
    %le3A_236 = arith.cmpi sle, %iota3A, %le3A_235 : vector<32x8192xi32>
    %jit3A_237 = arith.constant 0.000000e+00 : f32
    %broadcast_in_dim3A_238 = vector.broadcast %jit3A_237 : f32 to vector<32x8192xf32>
    %select_n3A_239 = arith.select %le3A_236, %get3A_1, %broadcast_in_dim3A_238 : vector<32x8192xi1>, vector<32x8192xf32>
    %reduce_sum3A_240 = arith.constant dense<0.000000e+00> : vector<32xf32>
    %reduce_sum3A_241 = vector.multi_reduction <add>, %select_n3A_239, %reduce_sum3A_240 [1] : vector<32x8192xf32> to vector<32xf32>
    %broadcast_in_dim3A_242 = vector.shape_cast %reduce_sum3A_241 : vector<32xf32> to vector<32x1xf32>
    %shift_right_arithmetic3A_243 = arith.constant 7 : i32
    %shift_right_arithmetic3A_244 = vector.broadcast %shift_right_arithmetic3A_243 : i32 to vector<32x1xi32>
    %shift_right_arithmetic3A_245 = arith.shrsi %broadcast_in_dim3A_226, %shift_right_arithmetic3A_244 : vector<32x1xi32>
    %add3A_246 = vector.broadcast %shift_right_arithmetic3A_245 : vector<32x1xi32> to vector<32x16xi32>
    %add3A_247 = arith.addi %mul3A_45, %add3A_246 : vector<32x16xi32>
    %jit3A_248 = arith.constant -1.000000e+00 : f32
    %broadcast_in_dim3A_249 = vector.broadcast %jit3A_248 : f32 to vector<32x8192xf32>
    %select_n3A_250 = arith.select %eq3A_228, %broadcast_in_dim3A_249, %select_n3A_215 : vector<32x8192xi1>, vector<32x8192xf32>
    %reduce_max3A_251 = arith.constant dense<0xFF800000> : vector<32xf32>
    %reduce_max3A_252 = vector.multi_reduction <maximumf>, %select_n3A_250, %reduce_max3A_251 [1] : vector<32x8192xf32> to vector<32xf32>
    %broadcast_in_dim3A_253 = vector.shape_cast %reduce_max3A_252 : vector<32xf32> to vector<32x1xf32>
    %eq3A_254 = vector.broadcast %broadcast_in_dim3A_253 : vector<32x1xf32> to vector<32x8192xf32>
    %eq3A_255 = arith.cmpf oeq, %select_n3A_250, %eq3A_254 : vector<32x8192xf32>
    %jit3A_256 = arith.constant 8192 : i32
    %broadcast_in_dim3A_257 = vector.broadcast %jit3A_256 : i32 to vector<32x8192xi32>
    %select_n3A_258 = arith.select %eq3A_255, %iota3A, %broadcast_in_dim3A_257 : vector<32x8192xi1>, vector<32x8192xi32>
    %reduce_min3A_259 = arith.constant dense<2147483647> : vector<32xi32>
    %reduce_min3A_260 = vector.multi_reduction <minsi>, %select_n3A_258, %reduce_min3A_259 [1] : vector<32x8192xi32> to vector<32xi32>
    %broadcast_in_dim3A_261 = vector.shape_cast %reduce_min3A_260 : vector<32xi32> to vector<32x1xi32>
    %eq3A_262 = vector.broadcast %broadcast_in_dim3A_261 : vector<32x1xi32> to vector<32x8192xi32>
    %eq3A_263 = arith.cmpi eq, %iota3A, %eq3A_262 : vector<32x8192xi32>
    %jit3A_264 = arith.constant 0.000000e+00 : f32
    %broadcast_in_dim3A_265 = vector.broadcast %jit3A_264 : f32 to vector<32x8192xf32>
    %select_n3A_266 = arith.select %eq3A_263, %get3A_1, %broadcast_in_dim3A_265 : vector<32x8192xi1>, vector<32x8192xf32>
    %reduce_sum3A_267 = arith.constant dense<0.000000e+00> : vector<32xf32>
    %reduce_sum3A_268 = vector.multi_reduction <add>, %select_n3A_266, %reduce_sum3A_267 [1] : vector<32x8192xf32> to vector<32xf32>
    %broadcast_in_dim3A_269 = vector.shape_cast %reduce_sum3A_268 : vector<32xf32> to vector<32x1xf32>
    %le3A_270 = vector.broadcast %broadcast_in_dim3A_261 : vector<32x1xi32> to vector<32x8192xi32>
    %le3A_271 = arith.cmpi sle, %iota3A, %le3A_270 : vector<32x8192xi32>
    %jit3A_272 = arith.constant 0.000000e+00 : f32
    %broadcast_in_dim3A_273 = vector.broadcast %jit3A_272 : f32 to vector<32x8192xf32>
    %select_n3A_274 = arith.select %le3A_271, %get3A_1, %broadcast_in_dim3A_273 : vector<32x8192xi1>, vector<32x8192xf32>
    %reduce_sum3A_275 = arith.constant dense<0.000000e+00> : vector<32xf32>
    %reduce_sum3A_276 = vector.multi_reduction <add>, %select_n3A_274, %reduce_sum3A_275 [1] : vector<32x8192xf32> to vector<32xf32>
    %broadcast_in_dim3A_277 = vector.shape_cast %reduce_sum3A_276 : vector<32xf32> to vector<32x1xf32>
    %shift_right_arithmetic3A_278 = arith.constant 7 : i32
    %shift_right_arithmetic3A_279 = vector.broadcast %shift_right_arithmetic3A_278 : i32 to vector<32x1xi32>
    %shift_right_arithmetic3A_280 = arith.shrsi %broadcast_in_dim3A_261, %shift_right_arithmetic3A_279 : vector<32x1xi32>
    %add3A_281 = vector.broadcast %shift_right_arithmetic3A_280 : vector<32x1xi32> to vector<32x16xi32>
    %add3A_282 = arith.addi %mul3A_45, %add3A_281 : vector<32x16xi32>
    %jit3A_283 = arith.constant -1.000000e+00 : f32
    %broadcast_in_dim3A_284 = vector.broadcast %jit3A_283 : f32 to vector<32x8192xf32>
    %select_n3A_285 = arith.select %eq3A_263, %broadcast_in_dim3A_284, %select_n3A_250 : vector<32x8192xi1>, vector<32x8192xf32>
    %reduce_max3A_286 = arith.constant dense<0xFF800000> : vector<32xf32>
    %reduce_max3A_287 = vector.multi_reduction <maximumf>, %select_n3A_285, %reduce_max3A_286 [1] : vector<32x8192xf32> to vector<32xf32>
    %broadcast_in_dim3A_288 = vector.shape_cast %reduce_max3A_287 : vector<32xf32> to vector<32x1xf32>
    %eq3A_289 = vector.broadcast %broadcast_in_dim3A_288 : vector<32x1xf32> to vector<32x8192xf32>
    %eq3A_290 = arith.cmpf oeq, %select_n3A_285, %eq3A_289 : vector<32x8192xf32>
    %jit3A_291 = arith.constant 8192 : i32
    %broadcast_in_dim3A_292 = vector.broadcast %jit3A_291 : i32 to vector<32x8192xi32>
    %select_n3A_293 = arith.select %eq3A_290, %iota3A, %broadcast_in_dim3A_292 : vector<32x8192xi1>, vector<32x8192xi32>
    %reduce_min3A_294 = arith.constant dense<2147483647> : vector<32xi32>
    %reduce_min3A_295 = vector.multi_reduction <minsi>, %select_n3A_293, %reduce_min3A_294 [1] : vector<32x8192xi32> to vector<32xi32>
    %broadcast_in_dim3A_296 = vector.shape_cast %reduce_min3A_295 : vector<32xi32> to vector<32x1xi32>
    %eq3A_297 = vector.broadcast %broadcast_in_dim3A_296 : vector<32x1xi32> to vector<32x8192xi32>
    %eq3A_298 = arith.cmpi eq, %iota3A, %eq3A_297 : vector<32x8192xi32>
    %jit3A_299 = arith.constant 0.000000e+00 : f32
    %broadcast_in_dim3A_300 = vector.broadcast %jit3A_299 : f32 to vector<32x8192xf32>
    %select_n3A_301 = arith.select %eq3A_298, %get3A_1, %broadcast_in_dim3A_300 : vector<32x8192xi1>, vector<32x8192xf32>
    %reduce_sum3A_302 = arith.constant dense<0.000000e+00> : vector<32xf32>
    %reduce_sum3A_303 = vector.multi_reduction <add>, %select_n3A_301, %reduce_sum3A_302 [1] : vector<32x8192xf32> to vector<32xf32>
    %broadcast_in_dim3A_304 = vector.shape_cast %reduce_sum3A_303 : vector<32xf32> to vector<32x1xf32>
    %le3A_305 = vector.broadcast %broadcast_in_dim3A_296 : vector<32x1xi32> to vector<32x8192xi32>
    %le3A_306 = arith.cmpi sle, %iota3A, %le3A_305 : vector<32x8192xi32>
    %jit3A_307 = arith.constant 0.000000e+00 : f32
    %broadcast_in_dim3A_308 = vector.broadcast %jit3A_307 : f32 to vector<32x8192xf32>
    %select_n3A_309 = arith.select %le3A_306, %get3A_1, %broadcast_in_dim3A_308 : vector<32x8192xi1>, vector<32x8192xf32>
    %reduce_sum3A_310 = arith.constant dense<0.000000e+00> : vector<32xf32>
    %reduce_sum3A_311 = vector.multi_reduction <add>, %select_n3A_309, %reduce_sum3A_310 [1] : vector<32x8192xf32> to vector<32xf32>
    %broadcast_in_dim3A_312 = vector.shape_cast %reduce_sum3A_311 : vector<32xf32> to vector<32x1xf32>
    %shift_right_arithmetic3A_313 = arith.constant 7 : i32
    %shift_right_arithmetic3A_314 = vector.broadcast %shift_right_arithmetic3A_313 : i32 to vector<32x1xi32>
    %shift_right_arithmetic3A_315 = arith.shrsi %broadcast_in_dim3A_296, %shift_right_arithmetic3A_314 : vector<32x1xi32>
    %add3A_316 = vector.broadcast %shift_right_arithmetic3A_315 : vector<32x1xi32> to vector<32x16xi32>
    %add3A_317 = arith.addi %mul3A_45, %add3A_316 : vector<32x16xi32>
    %jit3A_318 = arith.constant -1.000000e+00 : f32
    %broadcast_in_dim3A_319 = vector.broadcast %jit3A_318 : f32 to vector<32x8192xf32>
    %select_n3A_320 = arith.select %eq3A_298, %broadcast_in_dim3A_319, %select_n3A_285 : vector<32x8192xi1>, vector<32x8192xf32>
    %reduce_max3A_321 = arith.constant dense<0xFF800000> : vector<32xf32>
    %reduce_max3A_322 = vector.multi_reduction <maximumf>, %select_n3A_320, %reduce_max3A_321 [1] : vector<32x8192xf32> to vector<32xf32>
    %broadcast_in_dim3A_323 = vector.shape_cast %reduce_max3A_322 : vector<32xf32> to vector<32x1xf32>
    %eq3A_324 = vector.broadcast %broadcast_in_dim3A_323 : vector<32x1xf32> to vector<32x8192xf32>
    %eq3A_325 = arith.cmpf oeq, %select_n3A_320, %eq3A_324 : vector<32x8192xf32>
    %jit3A_326 = arith.constant 8192 : i32
    %broadcast_in_dim3A_327 = vector.broadcast %jit3A_326 : i32 to vector<32x8192xi32>
    %select_n3A_328 = arith.select %eq3A_325, %iota3A, %broadcast_in_dim3A_327 : vector<32x8192xi1>, vector<32x8192xi32>
    %reduce_min3A_329 = arith.constant dense<2147483647> : vector<32xi32>
    %reduce_min3A_330 = vector.multi_reduction <minsi>, %select_n3A_328, %reduce_min3A_329 [1] : vector<32x8192xi32> to vector<32xi32>
    %broadcast_in_dim3A_331 = vector.shape_cast %reduce_min3A_330 : vector<32xi32> to vector<32x1xi32>
    %eq3A_332 = vector.broadcast %broadcast_in_dim3A_331 : vector<32x1xi32> to vector<32x8192xi32>
    %eq3A_333 = arith.cmpi eq, %iota3A, %eq3A_332 : vector<32x8192xi32>
    %jit3A_334 = arith.constant 0.000000e+00 : f32
    %broadcast_in_dim3A_335 = vector.broadcast %jit3A_334 : f32 to vector<32x8192xf32>
    %select_n3A_336 = arith.select %eq3A_333, %get3A_1, %broadcast_in_dim3A_335 : vector<32x8192xi1>, vector<32x8192xf32>
    %reduce_sum3A_337 = arith.constant dense<0.000000e+00> : vector<32xf32>
    %reduce_sum3A_338 = vector.multi_reduction <add>, %select_n3A_336, %reduce_sum3A_337 [1] : vector<32x8192xf32> to vector<32xf32>
    %broadcast_in_dim3A_339 = vector.shape_cast %reduce_sum3A_338 : vector<32xf32> to vector<32x1xf32>
    %le3A_340 = vector.broadcast %broadcast_in_dim3A_331 : vector<32x1xi32> to vector<32x8192xi32>
    %le3A_341 = arith.cmpi sle, %iota3A, %le3A_340 : vector<32x8192xi32>
    %jit3A_342 = arith.constant 0.000000e+00 : f32
    %broadcast_in_dim3A_343 = vector.broadcast %jit3A_342 : f32 to vector<32x8192xf32>
    %select_n3A_344 = arith.select %le3A_341, %get3A_1, %broadcast_in_dim3A_343 : vector<32x8192xi1>, vector<32x8192xf32>
    %reduce_sum3A_345 = arith.constant dense<0.000000e+00> : vector<32xf32>
    %reduce_sum3A_346 = vector.multi_reduction <add>, %select_n3A_344, %reduce_sum3A_345 [1] : vector<32x8192xf32> to vector<32xf32>
    %broadcast_in_dim3A_347 = vector.shape_cast %reduce_sum3A_346 : vector<32xf32> to vector<32x1xf32>
    %shift_right_arithmetic3A_348 = arith.constant 7 : i32
    %shift_right_arithmetic3A_349 = vector.broadcast %shift_right_arithmetic3A_348 : i32 to vector<32x1xi32>
    %shift_right_arithmetic3A_350 = arith.shrsi %broadcast_in_dim3A_331, %shift_right_arithmetic3A_349 : vector<32x1xi32>
    %add3A_351 = vector.broadcast %shift_right_arithmetic3A_350 : vector<32x1xi32> to vector<32x16xi32>
    %add3A_352 = arith.addi %mul3A_45, %add3A_351 : vector<32x16xi32>
    %jit3A_353 = arith.constant -1.000000e+00 : f32
    %broadcast_in_dim3A_354 = vector.broadcast %jit3A_353 : f32 to vector<32x8192xf32>
    %select_n3A_355 = arith.select %eq3A_333, %broadcast_in_dim3A_354, %select_n3A_320 : vector<32x8192xi1>, vector<32x8192xf32>
    %reduce_max3A_356 = arith.constant dense<0xFF800000> : vector<32xf32>
    %reduce_max3A_357 = vector.multi_reduction <maximumf>, %select_n3A_355, %reduce_max3A_356 [1] : vector<32x8192xf32> to vector<32xf32>
    %broadcast_in_dim3A_358 = vector.shape_cast %reduce_max3A_357 : vector<32xf32> to vector<32x1xf32>
    %eq3A_359 = vector.broadcast %broadcast_in_dim3A_358 : vector<32x1xf32> to vector<32x8192xf32>
    %eq3A_360 = arith.cmpf oeq, %select_n3A_355, %eq3A_359 : vector<32x8192xf32>
    %jit3A_361 = arith.constant 8192 : i32
    %broadcast_in_dim3A_362 = vector.broadcast %jit3A_361 : i32 to vector<32x8192xi32>
    %select_n3A_363 = arith.select %eq3A_360, %iota3A, %broadcast_in_dim3A_362 : vector<32x8192xi1>, vector<32x8192xi32>
    %reduce_min3A_364 = arith.constant dense<2147483647> : vector<32xi32>
    %reduce_min3A_365 = vector.multi_reduction <minsi>, %select_n3A_363, %reduce_min3A_364 [1] : vector<32x8192xi32> to vector<32xi32>
    %broadcast_in_dim3A_366 = vector.shape_cast %reduce_min3A_365 : vector<32xi32> to vector<32x1xi32>
    %eq3A_367 = vector.broadcast %broadcast_in_dim3A_366 : vector<32x1xi32> to vector<32x8192xi32>
    %eq3A_368 = arith.cmpi eq, %iota3A, %eq3A_367 : vector<32x8192xi32>
    %jit3A_369 = arith.constant 0.000000e+00 : f32
    %broadcast_in_dim3A_370 = vector.broadcast %jit3A_369 : f32 to vector<32x8192xf32>
    %select_n3A_371 = arith.select %eq3A_368, %get3A_1, %broadcast_in_dim3A_370 : vector<32x8192xi1>, vector<32x8192xf32>
    %reduce_sum3A_372 = arith.constant dense<0.000000e+00> : vector<32xf32>
    %reduce_sum3A_373 = vector.multi_reduction <add>, %select_n3A_371, %reduce_sum3A_372 [1] : vector<32x8192xf32> to vector<32xf32>
    %broadcast_in_dim3A_374 = vector.shape_cast %reduce_sum3A_373 : vector<32xf32> to vector<32x1xf32>
    %le3A_375 = vector.broadcast %broadcast_in_dim3A_366 : vector<32x1xi32> to vector<32x8192xi32>
    %le3A_376 = arith.cmpi sle, %iota3A, %le3A_375 : vector<32x8192xi32>
    %jit3A_377 = arith.constant 0.000000e+00 : f32
    %broadcast_in_dim3A_378 = vector.broadcast %jit3A_377 : f32 to vector<32x8192xf32>
    %select_n3A_379 = arith.select %le3A_376, %get3A_1, %broadcast_in_dim3A_378 : vector<32x8192xi1>, vector<32x8192xf32>
    %reduce_sum3A_380 = arith.constant dense<0.000000e+00> : vector<32xf32>
    %reduce_sum3A_381 = vector.multi_reduction <add>, %select_n3A_379, %reduce_sum3A_380 [1] : vector<32x8192xf32> to vector<32xf32>
    %broadcast_in_dim3A_382 = vector.shape_cast %reduce_sum3A_381 : vector<32xf32> to vector<32x1xf32>
    %shift_right_arithmetic3A_383 = arith.constant 7 : i32
    %shift_right_arithmetic3A_384 = vector.broadcast %shift_right_arithmetic3A_383 : i32 to vector<32x1xi32>
    %shift_right_arithmetic3A_385 = arith.shrsi %broadcast_in_dim3A_366, %shift_right_arithmetic3A_384 : vector<32x1xi32>
    %add3A_386 = vector.broadcast %shift_right_arithmetic3A_385 : vector<32x1xi32> to vector<32x16xi32>
    %add3A_387 = arith.addi %mul3A_45, %add3A_386 : vector<32x16xi32>
    %jit3A_388 = arith.constant -1.000000e+00 : f32
    %broadcast_in_dim3A_389 = vector.broadcast %jit3A_388 : f32 to vector<32x8192xf32>
    %select_n3A_390 = arith.select %eq3A_368, %broadcast_in_dim3A_389, %select_n3A_355 : vector<32x8192xi1>, vector<32x8192xf32>
    %reduce_max3A_391 = arith.constant dense<0xFF800000> : vector<32xf32>
    %reduce_max3A_392 = vector.multi_reduction <maximumf>, %select_n3A_390, %reduce_max3A_391 [1] : vector<32x8192xf32> to vector<32xf32>
    %broadcast_in_dim3A_393 = vector.shape_cast %reduce_max3A_392 : vector<32xf32> to vector<32x1xf32>
    %eq3A_394 = vector.broadcast %broadcast_in_dim3A_393 : vector<32x1xf32> to vector<32x8192xf32>
    %eq3A_395 = arith.cmpf oeq, %select_n3A_390, %eq3A_394 : vector<32x8192xf32>
    %jit3A_396 = arith.constant 8192 : i32
    %broadcast_in_dim3A_397 = vector.broadcast %jit3A_396 : i32 to vector<32x8192xi32>
    %select_n3A_398 = arith.select %eq3A_395, %iota3A, %broadcast_in_dim3A_397 : vector<32x8192xi1>, vector<32x8192xi32>
    %reduce_min3A_399 = arith.constant dense<2147483647> : vector<32xi32>
    %reduce_min3A_400 = vector.multi_reduction <minsi>, %select_n3A_398, %reduce_min3A_399 [1] : vector<32x8192xi32> to vector<32xi32>
    %broadcast_in_dim3A_401 = vector.shape_cast %reduce_min3A_400 : vector<32xi32> to vector<32x1xi32>
    %eq3A_402 = vector.broadcast %broadcast_in_dim3A_401 : vector<32x1xi32> to vector<32x8192xi32>
    %eq3A_403 = arith.cmpi eq, %iota3A, %eq3A_402 : vector<32x8192xi32>
    %jit3A_404 = arith.constant 0.000000e+00 : f32
    %broadcast_in_dim3A_405 = vector.broadcast %jit3A_404 : f32 to vector<32x8192xf32>
    %select_n3A_406 = arith.select %eq3A_403, %get3A_1, %broadcast_in_dim3A_405 : vector<32x8192xi1>, vector<32x8192xf32>
    %reduce_sum3A_407 = arith.constant dense<0.000000e+00> : vector<32xf32>
    %reduce_sum3A_408 = vector.multi_reduction <add>, %select_n3A_406, %reduce_sum3A_407 [1] : vector<32x8192xf32> to vector<32xf32>
    %broadcast_in_dim3A_409 = vector.shape_cast %reduce_sum3A_408 : vector<32xf32> to vector<32x1xf32>
    %le3A_410 = vector.broadcast %broadcast_in_dim3A_401 : vector<32x1xi32> to vector<32x8192xi32>
    %le3A_411 = arith.cmpi sle, %iota3A, %le3A_410 : vector<32x8192xi32>
    %jit3A_412 = arith.constant 0.000000e+00 : f32
    %broadcast_in_dim3A_413 = vector.broadcast %jit3A_412 : f32 to vector<32x8192xf32>
    %select_n3A_414 = arith.select %le3A_411, %get3A_1, %broadcast_in_dim3A_413 : vector<32x8192xi1>, vector<32x8192xf32>
    %reduce_sum3A_415 = arith.constant dense<0.000000e+00> : vector<32xf32>
    %reduce_sum3A_416 = vector.multi_reduction <add>, %select_n3A_414, %reduce_sum3A_415 [1] : vector<32x8192xf32> to vector<32xf32>
    %broadcast_in_dim3A_417 = vector.shape_cast %reduce_sum3A_416 : vector<32xf32> to vector<32x1xf32>
    %shift_right_arithmetic3A_418 = arith.constant 7 : i32
    %shift_right_arithmetic3A_419 = vector.broadcast %shift_right_arithmetic3A_418 : i32 to vector<32x1xi32>
    %shift_right_arithmetic3A_420 = arith.shrsi %broadcast_in_dim3A_401, %shift_right_arithmetic3A_419 : vector<32x1xi32>
    %add3A_421 = vector.broadcast %shift_right_arithmetic3A_420 : vector<32x1xi32> to vector<32x16xi32>
    %add3A_422 = arith.addi %mul3A_45, %add3A_421 : vector<32x16xi32>
    %jit3A_423 = arith.constant -1.000000e+00 : f32
    %broadcast_in_dim3A_424 = vector.broadcast %jit3A_423 : f32 to vector<32x8192xf32>
    %select_n3A_425 = arith.select %eq3A_403, %broadcast_in_dim3A_424, %select_n3A_390 : vector<32x8192xi1>, vector<32x8192xf32>
    %reduce_max3A_426 = arith.constant dense<0xFF800000> : vector<32xf32>
    %reduce_max3A_427 = vector.multi_reduction <maximumf>, %select_n3A_425, %reduce_max3A_426 [1] : vector<32x8192xf32> to vector<32xf32>
    %broadcast_in_dim3A_428 = vector.shape_cast %reduce_max3A_427 : vector<32xf32> to vector<32x1xf32>
    %eq3A_429 = vector.broadcast %broadcast_in_dim3A_428 : vector<32x1xf32> to vector<32x8192xf32>
    %eq3A_430 = arith.cmpf oeq, %select_n3A_425, %eq3A_429 : vector<32x8192xf32>
    %jit3A_431 = arith.constant 8192 : i32
    %broadcast_in_dim3A_432 = vector.broadcast %jit3A_431 : i32 to vector<32x8192xi32>
    %select_n3A_433 = arith.select %eq3A_430, %iota3A, %broadcast_in_dim3A_432 : vector<32x8192xi1>, vector<32x8192xi32>
    %reduce_min3A_434 = arith.constant dense<2147483647> : vector<32xi32>
    %reduce_min3A_435 = vector.multi_reduction <minsi>, %select_n3A_433, %reduce_min3A_434 [1] : vector<32x8192xi32> to vector<32xi32>
    %broadcast_in_dim3A_436 = vector.shape_cast %reduce_min3A_435 : vector<32xi32> to vector<32x1xi32>
    %eq3A_437 = vector.broadcast %broadcast_in_dim3A_436 : vector<32x1xi32> to vector<32x8192xi32>
    %eq3A_438 = arith.cmpi eq, %iota3A, %eq3A_437 : vector<32x8192xi32>
    %jit3A_439 = arith.constant 0.000000e+00 : f32
    %broadcast_in_dim3A_440 = vector.broadcast %jit3A_439 : f32 to vector<32x8192xf32>
    %select_n3A_441 = arith.select %eq3A_438, %get3A_1, %broadcast_in_dim3A_440 : vector<32x8192xi1>, vector<32x8192xf32>
    %reduce_sum3A_442 = arith.constant dense<0.000000e+00> : vector<32xf32>
    %reduce_sum3A_443 = vector.multi_reduction <add>, %select_n3A_441, %reduce_sum3A_442 [1] : vector<32x8192xf32> to vector<32xf32>
    %broadcast_in_dim3A_444 = vector.shape_cast %reduce_sum3A_443 : vector<32xf32> to vector<32x1xf32>
    %le3A_445 = vector.broadcast %broadcast_in_dim3A_436 : vector<32x1xi32> to vector<32x8192xi32>
    %le3A_446 = arith.cmpi sle, %iota3A, %le3A_445 : vector<32x8192xi32>
    %jit3A_447 = arith.constant 0.000000e+00 : f32
    %broadcast_in_dim3A_448 = vector.broadcast %jit3A_447 : f32 to vector<32x8192xf32>
    %select_n3A_449 = arith.select %le3A_446, %get3A_1, %broadcast_in_dim3A_448 : vector<32x8192xi1>, vector<32x8192xf32>
    %reduce_sum3A_450 = arith.constant dense<0.000000e+00> : vector<32xf32>
    %reduce_sum3A_451 = vector.multi_reduction <add>, %select_n3A_449, %reduce_sum3A_450 [1] : vector<32x8192xf32> to vector<32xf32>
    %broadcast_in_dim3A_452 = vector.shape_cast %reduce_sum3A_451 : vector<32xf32> to vector<32x1xf32>
    %shift_right_arithmetic3A_453 = arith.constant 7 : i32
    %shift_right_arithmetic3A_454 = vector.broadcast %shift_right_arithmetic3A_453 : i32 to vector<32x1xi32>
    %shift_right_arithmetic3A_455 = arith.shrsi %broadcast_in_dim3A_436, %shift_right_arithmetic3A_454 : vector<32x1xi32>
    %add3A_456 = vector.broadcast %shift_right_arithmetic3A_455 : vector<32x1xi32> to vector<32x16xi32>
    %add3A_457 = arith.addi %mul3A_45, %add3A_456 : vector<32x16xi32>
    %jit3A_458 = arith.constant -1.000000e+00 : f32
    %broadcast_in_dim3A_459 = vector.broadcast %jit3A_458 : f32 to vector<32x8192xf32>
    %select_n3A_460 = arith.select %eq3A_438, %broadcast_in_dim3A_459, %select_n3A_425 : vector<32x8192xi1>, vector<32x8192xf32>
    %reduce_max3A_461 = arith.constant dense<0xFF800000> : vector<32xf32>
    %reduce_max3A_462 = vector.multi_reduction <maximumf>, %select_n3A_460, %reduce_max3A_461 [1] : vector<32x8192xf32> to vector<32xf32>
    %broadcast_in_dim3A_463 = vector.shape_cast %reduce_max3A_462 : vector<32xf32> to vector<32x1xf32>
    %eq3A_464 = vector.broadcast %broadcast_in_dim3A_463 : vector<32x1xf32> to vector<32x8192xf32>
    %eq3A_465 = arith.cmpf oeq, %select_n3A_460, %eq3A_464 : vector<32x8192xf32>
    %jit3A_466 = arith.constant 8192 : i32
    %broadcast_in_dim3A_467 = vector.broadcast %jit3A_466 : i32 to vector<32x8192xi32>
    %select_n3A_468 = arith.select %eq3A_465, %iota3A, %broadcast_in_dim3A_467 : vector<32x8192xi1>, vector<32x8192xi32>
    %reduce_min3A_469 = arith.constant dense<2147483647> : vector<32xi32>
    %reduce_min3A_470 = vector.multi_reduction <minsi>, %select_n3A_468, %reduce_min3A_469 [1] : vector<32x8192xi32> to vector<32xi32>
    %broadcast_in_dim3A_471 = vector.shape_cast %reduce_min3A_470 : vector<32xi32> to vector<32x1xi32>
    %eq3A_472 = vector.broadcast %broadcast_in_dim3A_471 : vector<32x1xi32> to vector<32x8192xi32>
    %eq3A_473 = arith.cmpi eq, %iota3A, %eq3A_472 : vector<32x8192xi32>
    %jit3A_474 = arith.constant 0.000000e+00 : f32
    %broadcast_in_dim3A_475 = vector.broadcast %jit3A_474 : f32 to vector<32x8192xf32>
    %select_n3A_476 = arith.select %eq3A_473, %get3A_1, %broadcast_in_dim3A_475 : vector<32x8192xi1>, vector<32x8192xf32>
    %reduce_sum3A_477 = arith.constant dense<0.000000e+00> : vector<32xf32>
    %reduce_sum3A_478 = vector.multi_reduction <add>, %select_n3A_476, %reduce_sum3A_477 [1] : vector<32x8192xf32> to vector<32xf32>
    %broadcast_in_dim3A_479 = vector.shape_cast %reduce_sum3A_478 : vector<32xf32> to vector<32x1xf32>
    %le3A_480 = vector.broadcast %broadcast_in_dim3A_471 : vector<32x1xi32> to vector<32x8192xi32>
    %le3A_481 = arith.cmpi sle, %iota3A, %le3A_480 : vector<32x8192xi32>
    %jit3A_482 = arith.constant 0.000000e+00 : f32
    %broadcast_in_dim3A_483 = vector.broadcast %jit3A_482 : f32 to vector<32x8192xf32>
    %select_n3A_484 = arith.select %le3A_481, %get3A_1, %broadcast_in_dim3A_483 : vector<32x8192xi1>, vector<32x8192xf32>
    %reduce_sum3A_485 = arith.constant dense<0.000000e+00> : vector<32xf32>
    %reduce_sum3A_486 = vector.multi_reduction <add>, %select_n3A_484, %reduce_sum3A_485 [1] : vector<32x8192xf32> to vector<32xf32>
    %broadcast_in_dim3A_487 = vector.shape_cast %reduce_sum3A_486 : vector<32xf32> to vector<32x1xf32>
    %shift_right_arithmetic3A_488 = arith.constant 7 : i32
    %shift_right_arithmetic3A_489 = vector.broadcast %shift_right_arithmetic3A_488 : i32 to vector<32x1xi32>
    %shift_right_arithmetic3A_490 = arith.shrsi %broadcast_in_dim3A_471, %shift_right_arithmetic3A_489 : vector<32x1xi32>
    %add3A_491 = vector.broadcast %shift_right_arithmetic3A_490 : vector<32x1xi32> to vector<32x16xi32>
    %add3A_492 = arith.addi %mul3A_45, %add3A_491 : vector<32x16xi32>
    %jit3A_493 = arith.constant -1.000000e+00 : f32
    %broadcast_in_dim3A_494 = vector.broadcast %jit3A_493 : f32 to vector<32x8192xf32>
    %select_n3A_495 = arith.select %eq3A_473, %broadcast_in_dim3A_494, %select_n3A_460 : vector<32x8192xi1>, vector<32x8192xf32>
    %reduce_max3A_496 = arith.constant dense<0xFF800000> : vector<32xf32>
    %reduce_max3A_497 = vector.multi_reduction <maximumf>, %select_n3A_495, %reduce_max3A_496 [1] : vector<32x8192xf32> to vector<32xf32>
    %broadcast_in_dim3A_498 = vector.shape_cast %reduce_max3A_497 : vector<32xf32> to vector<32x1xf32>
    %eq3A_499 = vector.broadcast %broadcast_in_dim3A_498 : vector<32x1xf32> to vector<32x8192xf32>
    %eq3A_500 = arith.cmpf oeq, %select_n3A_495, %eq3A_499 : vector<32x8192xf32>
    %jit3A_501 = arith.constant 8192 : i32
    %broadcast_in_dim3A_502 = vector.broadcast %jit3A_501 : i32 to vector<32x8192xi32>
    %select_n3A_503 = arith.select %eq3A_500, %iota3A, %broadcast_in_dim3A_502 : vector<32x8192xi1>, vector<32x8192xi32>
    %reduce_min3A_504 = arith.constant dense<2147483647> : vector<32xi32>
    %reduce_min3A_505 = vector.multi_reduction <minsi>, %select_n3A_503, %reduce_min3A_504 [1] : vector<32x8192xi32> to vector<32xi32>
    %broadcast_in_dim3A_506 = vector.shape_cast %reduce_min3A_505 : vector<32xi32> to vector<32x1xi32>
    %eq3A_507 = vector.broadcast %broadcast_in_dim3A_506 : vector<32x1xi32> to vector<32x8192xi32>
    %eq3A_508 = arith.cmpi eq, %iota3A, %eq3A_507 : vector<32x8192xi32>
    %jit3A_509 = arith.constant 0.000000e+00 : f32
    %broadcast_in_dim3A_510 = vector.broadcast %jit3A_509 : f32 to vector<32x8192xf32>
    %select_n3A_511 = arith.select %eq3A_508, %get3A_1, %broadcast_in_dim3A_510 : vector<32x8192xi1>, vector<32x8192xf32>
    %reduce_sum3A_512 = arith.constant dense<0.000000e+00> : vector<32xf32>
    %reduce_sum3A_513 = vector.multi_reduction <add>, %select_n3A_511, %reduce_sum3A_512 [1] : vector<32x8192xf32> to vector<32xf32>
    %broadcast_in_dim3A_514 = vector.shape_cast %reduce_sum3A_513 : vector<32xf32> to vector<32x1xf32>
    %le3A_515 = vector.broadcast %broadcast_in_dim3A_506 : vector<32x1xi32> to vector<32x8192xi32>
    %le3A_516 = arith.cmpi sle, %iota3A, %le3A_515 : vector<32x8192xi32>
    %jit3A_517 = arith.constant 0.000000e+00 : f32
    %broadcast_in_dim3A_518 = vector.broadcast %jit3A_517 : f32 to vector<32x8192xf32>
    %select_n3A_519 = arith.select %le3A_516, %get3A_1, %broadcast_in_dim3A_518 : vector<32x8192xi1>, vector<32x8192xf32>
    %reduce_sum3A_520 = arith.constant dense<0.000000e+00> : vector<32xf32>
    %reduce_sum3A_521 = vector.multi_reduction <add>, %select_n3A_519, %reduce_sum3A_520 [1] : vector<32x8192xf32> to vector<32xf32>
    %broadcast_in_dim3A_522 = vector.shape_cast %reduce_sum3A_521 : vector<32xf32> to vector<32x1xf32>
    %shift_right_arithmetic3A_523 = arith.constant 7 : i32
    %shift_right_arithmetic3A_524 = vector.broadcast %shift_right_arithmetic3A_523 : i32 to vector<32x1xi32>
    %shift_right_arithmetic3A_525 = arith.shrsi %broadcast_in_dim3A_506, %shift_right_arithmetic3A_524 : vector<32x1xi32>
    %add3A_526 = vector.broadcast %shift_right_arithmetic3A_525 : vector<32x1xi32> to vector<32x16xi32>
    %add3A_527 = arith.addi %mul3A_45, %add3A_526 : vector<32x16xi32>
    %jit3A_528 = arith.constant -1.000000e+00 : f32
    %broadcast_in_dim3A_529 = vector.broadcast %jit3A_528 : f32 to vector<32x8192xf32>
    %select_n3A_530 = arith.select %eq3A_508, %broadcast_in_dim3A_529, %select_n3A_495 : vector<32x8192xi1>, vector<32x8192xf32>
    %reduce_max3A_531 = arith.constant dense<0xFF800000> : vector<32xf32>
    %reduce_max3A_532 = vector.multi_reduction <maximumf>, %select_n3A_530, %reduce_max3A_531 [1] : vector<32x8192xf32> to vector<32xf32>
    %broadcast_in_dim3A_533 = vector.shape_cast %reduce_max3A_532 : vector<32xf32> to vector<32x1xf32>
    %eq3A_534 = vector.broadcast %broadcast_in_dim3A_533 : vector<32x1xf32> to vector<32x8192xf32>
    %eq3A_535 = arith.cmpf oeq, %select_n3A_530, %eq3A_534 : vector<32x8192xf32>
    %jit3A_536 = arith.constant 8192 : i32
    %broadcast_in_dim3A_537 = vector.broadcast %jit3A_536 : i32 to vector<32x8192xi32>
    %select_n3A_538 = arith.select %eq3A_535, %iota3A, %broadcast_in_dim3A_537 : vector<32x8192xi1>, vector<32x8192xi32>
    %reduce_min3A_539 = arith.constant dense<2147483647> : vector<32xi32>
    %reduce_min3A_540 = vector.multi_reduction <minsi>, %select_n3A_538, %reduce_min3A_539 [1] : vector<32x8192xi32> to vector<32xi32>
    %broadcast_in_dim3A_541 = vector.shape_cast %reduce_min3A_540 : vector<32xi32> to vector<32x1xi32>
    %eq3A_542 = vector.broadcast %broadcast_in_dim3A_541 : vector<32x1xi32> to vector<32x8192xi32>
    %eq3A_543 = arith.cmpi eq, %iota3A, %eq3A_542 : vector<32x8192xi32>
    %jit3A_544 = arith.constant 0.000000e+00 : f32
    %broadcast_in_dim3A_545 = vector.broadcast %jit3A_544 : f32 to vector<32x8192xf32>
    %select_n3A_546 = arith.select %eq3A_543, %get3A_1, %broadcast_in_dim3A_545 : vector<32x8192xi1>, vector<32x8192xf32>
    %reduce_sum3A_547 = arith.constant dense<0.000000e+00> : vector<32xf32>
    %reduce_sum3A_548 = vector.multi_reduction <add>, %select_n3A_546, %reduce_sum3A_547 [1] : vector<32x8192xf32> to vector<32xf32>
    %broadcast_in_dim3A_549 = vector.shape_cast %reduce_sum3A_548 : vector<32xf32> to vector<32x1xf32>
    %le3A_550 = vector.broadcast %broadcast_in_dim3A_541 : vector<32x1xi32> to vector<32x8192xi32>
    %le3A_551 = arith.cmpi sle, %iota3A, %le3A_550 : vector<32x8192xi32>
    %jit3A_552 = arith.constant 0.000000e+00 : f32
    %broadcast_in_dim3A_553 = vector.broadcast %jit3A_552 : f32 to vector<32x8192xf32>
    %select_n3A_554 = arith.select %le3A_551, %get3A_1, %broadcast_in_dim3A_553 : vector<32x8192xi1>, vector<32x8192xf32>
    %reduce_sum3A_555 = arith.constant dense<0.000000e+00> : vector<32xf32>
    %reduce_sum3A_556 = vector.multi_reduction <add>, %select_n3A_554, %reduce_sum3A_555 [1] : vector<32x8192xf32> to vector<32xf32>
    %broadcast_in_dim3A_557 = vector.shape_cast %reduce_sum3A_556 : vector<32xf32> to vector<32x1xf32>
    %shift_right_arithmetic3A_558 = arith.constant 7 : i32
    %shift_right_arithmetic3A_559 = vector.broadcast %shift_right_arithmetic3A_558 : i32 to vector<32x1xi32>
    %shift_right_arithmetic3A_560 = arith.shrsi %broadcast_in_dim3A_541, %shift_right_arithmetic3A_559 : vector<32x1xi32>
    %add3A_561 = vector.broadcast %shift_right_arithmetic3A_560 : vector<32x1xi32> to vector<32x16xi32>
    %add3A_562 = arith.addi %mul3A_45, %add3A_561 : vector<32x16xi32>
    %jit3A_563 = arith.constant -1.000000e+00 : f32
    %broadcast_in_dim3A_564 = vector.broadcast %jit3A_563 : f32 to vector<32x8192xf32>
    %select_n3A_565 = arith.select %eq3A_543, %broadcast_in_dim3A_564, %select_n3A_530 : vector<32x8192xi1>, vector<32x8192xf32>
    %reduce_max3A_566 = arith.constant dense<0xFF800000> : vector<32xf32>
    %reduce_max3A_567 = vector.multi_reduction <maximumf>, %select_n3A_565, %reduce_max3A_566 [1] : vector<32x8192xf32> to vector<32xf32>
    %broadcast_in_dim3A_568 = vector.shape_cast %reduce_max3A_567 : vector<32xf32> to vector<32x1xf32>
    %eq3A_569 = vector.broadcast %broadcast_in_dim3A_568 : vector<32x1xf32> to vector<32x8192xf32>
    %eq3A_570 = arith.cmpf oeq, %select_n3A_565, %eq3A_569 : vector<32x8192xf32>
    %jit3A_571 = arith.constant 8192 : i32
    %broadcast_in_dim3A_572 = vector.broadcast %jit3A_571 : i32 to vector<32x8192xi32>
    %select_n3A_573 = arith.select %eq3A_570, %iota3A, %broadcast_in_dim3A_572 : vector<32x8192xi1>, vector<32x8192xi32>
    %reduce_min3A_574 = arith.constant dense<2147483647> : vector<32xi32>
    %reduce_min3A_575 = vector.multi_reduction <minsi>, %select_n3A_573, %reduce_min3A_574 [1] : vector<32x8192xi32> to vector<32xi32>
    %broadcast_in_dim3A_576 = vector.shape_cast %reduce_min3A_575 : vector<32xi32> to vector<32x1xi32>
    %eq3A_577 = vector.broadcast %broadcast_in_dim3A_576 : vector<32x1xi32> to vector<32x8192xi32>
    %eq3A_578 = arith.cmpi eq, %iota3A, %eq3A_577 : vector<32x8192xi32>
    %jit3A_579 = arith.constant 0.000000e+00 : f32
    %broadcast_in_dim3A_580 = vector.broadcast %jit3A_579 : f32 to vector<32x8192xf32>
    %select_n3A_581 = arith.select %eq3A_578, %get3A_1, %broadcast_in_dim3A_580 : vector<32x8192xi1>, vector<32x8192xf32>
    %reduce_sum3A_582 = arith.constant dense<0.000000e+00> : vector<32xf32>
    %reduce_sum3A_583 = vector.multi_reduction <add>, %select_n3A_581, %reduce_sum3A_582 [1] : vector<32x8192xf32> to vector<32xf32>
    %broadcast_in_dim3A_584 = vector.shape_cast %reduce_sum3A_583 : vector<32xf32> to vector<32x1xf32>
    %le3A_585 = vector.broadcast %broadcast_in_dim3A_576 : vector<32x1xi32> to vector<32x8192xi32>
    %le3A_586 = arith.cmpi sle, %iota3A, %le3A_585 : vector<32x8192xi32>
    %jit3A_587 = arith.constant 0.000000e+00 : f32
    %broadcast_in_dim3A_588 = vector.broadcast %jit3A_587 : f32 to vector<32x8192xf32>
    %select_n3A_589 = arith.select %le3A_586, %get3A_1, %broadcast_in_dim3A_588 : vector<32x8192xi1>, vector<32x8192xf32>
    %reduce_sum3A_590 = arith.constant dense<0.000000e+00> : vector<32xf32>
    %reduce_sum3A_591 = vector.multi_reduction <add>, %select_n3A_589, %reduce_sum3A_590 [1] : vector<32x8192xf32> to vector<32xf32>
    %broadcast_in_dim3A_592 = vector.shape_cast %reduce_sum3A_591 : vector<32xf32> to vector<32x1xf32>
    %shift_right_arithmetic3A_593 = arith.constant 7 : i32
    %shift_right_arithmetic3A_594 = vector.broadcast %shift_right_arithmetic3A_593 : i32 to vector<32x1xi32>
    %shift_right_arithmetic3A_595 = arith.shrsi %broadcast_in_dim3A_576, %shift_right_arithmetic3A_594 : vector<32x1xi32>
    %add3A_596 = vector.broadcast %shift_right_arithmetic3A_595 : vector<32x1xi32> to vector<32x16xi32>
    %add3A_597 = arith.addi %mul3A_45, %add3A_596 : vector<32x16xi32>
    %concatenate3A_598 = tpu.concatenate %broadcast_in_dim3A_53, %broadcast_in_dim3A_86, %broadcast_in_dim3A_121, %broadcast_in_dim3A_156, %broadcast_in_dim3A_191, %broadcast_in_dim3A_226, %broadcast_in_dim3A_261, %broadcast_in_dim3A_296, %broadcast_in_dim3A_331, %broadcast_in_dim3A_366, %broadcast_in_dim3A_401, %broadcast_in_dim3A_436, %broadcast_in_dim3A_471, %broadcast_in_dim3A_506, %broadcast_in_dim3A_541, %broadcast_in_dim3A_576 in 1 : vector<32x1xi32>, vector<32x1xi32>, vector<32x1xi32>, vector<32x1xi32>, vector<32x1xi32>, vector<32x1xi32>, vector<32x1xi32>, vector<32x1xi32>, vector<32x1xi32>, vector<32x1xi32>, vector<32x1xi32>, vector<32x1xi32>, vector<32x1xi32>, vector<32x1xi32>, vector<32x1xi32>, vector<32x1xi32> -> vector<32x16xi32>
    %swap3A_599 = arith.constant 0 : index
    %swap3A_600 = arith.constant 0 : index
    %swap3A_601 = vector.load %arg2[%swap3A_599, %swap3A_600] : memref<32x16xi32, #tpu.memory_space<vmem>>, vector<32x16xi32>
    tpu.vector_store %arg2[%swap3A_599, %swap3A_600], %concatenate3A_598 {strides = array<i32>} : memref<32x16xi32, #tpu.memory_space<vmem>>, vector<32x16xi32>,
    %concatenate3A_602 = tpu.concatenate %add3A_72, %add3A_107, %add3A_142, %add3A_177, %add3A_212, %add3A_247, %add3A_282, %add3A_317, %add3A_352, %add3A_387, %add3A_422, %add3A_457, %add3A_492, %add3A_527, %add3A_562, %add3A_597 in 1 : vector<32x16xi32>, vector<32x16xi32>, vector<32x16xi32>, vector<32x16xi32>, vector<32x16xi32>, vector<32x16xi32>, vector<32x16xi32>, vector<32x16xi32>, vector<32x16xi32>, vector<32x16xi32>, vector<32x16xi32>, vector<32x16xi32>, vector<32x16xi32>, vector<32x16xi32>, vector<32x16xi32>, vector<32x16xi32> -> vector<32x256xi32>
    %swap3A_603 = arith.constant 0 : index
    %swap3A_604 = arith.constant 0 : index
    %swap3A_605 = vector.load %arg3[%swap3A_603, %swap3A_604] : memref<32x256xi32, #tpu.memory_space<vmem>>, vector<32x256xi32>
    tpu.vector_store %arg3[%swap3A_603, %swap3A_604], %concatenate3A_602 {strides = array<i32>} : memref<32x256xi32, #tpu.memory_space<vmem>>, vector<32x256xi32>,
    %concatenate3A_606 = tpu.concatenate %broadcast_in_dim3A_61, %broadcast_in_dim3A_94, %broadcast_in_dim3A_129, %broadcast_in_dim3A_164, %broadcast_in_dim3A_199, %broadcast_in_dim3A_234, %broadcast_in_dim3A_269, %broadcast_in_dim3A_304, %broadcast_in_dim3A_339, %broadcast_in_dim3A_374, %broadcast_in_dim3A_409, %broadcast_in_dim3A_444, %broadcast_in_dim3A_479, %broadcast_in_dim3A_514, %broadcast_in_dim3A_549, %broadcast_in_dim3A_584 in 1 : vector<32x1xf32>, vector<32x1xf32>, vector<32x1xf32>, vector<32x1xf32>, vector<32x1xf32>, vector<32x1xf32>, vector<32x1xf32>, vector<32x1xf32>, vector<32x1xf32>, vector<32x1xf32>, vector<32x1xf32>, vector<32x1xf32>, vector<32x1xf32>, vector<32x1xf32>, vector<32x1xf32>, vector<32x1xf32> -> vector<32x16xf32>
    %swap3A_607 = arith.constant 0 : index
    %swap3A_608 = arith.constant 0 : index
    %swap3A_609 = vector.load %arg4[%swap3A_607, %swap3A_608] : memref<32x16xf32, #tpu.memory_space<vmem>>, vector<32x16xf32>
    tpu.vector_store %arg4[%swap3A_607, %swap3A_608], %concatenate3A_606 {strides = array<i32>} : memref<32x16xf32, #tpu.memory_space<vmem>>, vector<32x16xf32>,
    %concatenate3A_610 = tpu.concatenate %broadcast_in_dim3A_68, %broadcast_in_dim3A_102, %broadcast_in_dim3A_137, %broadcast_in_dim3A_172, %broadcast_in_dim3A_207, %broadcast_in_dim3A_242, %broadcast_in_dim3A_277, %broadcast_in_dim3A_312, %broadcast_in_dim3A_347, %broadcast_in_dim3A_382, %broadcast_in_dim3A_417, %broadcast_in_dim3A_452, %broadcast_in_dim3A_487, %broadcast_in_dim3A_522, %broadcast_in_dim3A_557, %broadcast_in_dim3A_592 in 1 : vector<32x1xf32>, vector<32x1xf32>, vector<32x1xf32>, vector<32x1xf32>, vector<32x1xf32>, vector<32x1xf32>, vector<32x1xf32>, vector<32x1xf32>, vector<32x1xf32>, vector<32x1xf32>, vector<32x1xf32>, vector<32x1xf32>, vector<32x1xf32>, vector<32x1xf32>, vector<32x1xf32>, vector<32x1xf32> -> vector<32x16xf32>
    %swap3A_611 = arith.constant 0 : index
    %swap3A_612 = arith.constant 0 : index
    %swap3A_613 = vector.load %arg5[%swap3A_611, %swap3A_612] : memref<32x16xf32, #tpu.memory_space<vmem>>, vector<32x16xf32>
    tpu.vector_store %arg5[%swap3A_611, %swap3A_612], %concatenate3A_610 {strides = array<i32>} : memref<32x16xf32, #tpu.memory_space<vmem>>, vector<32x16xf32>,
    return
  }
}

module attributes {stable_mosaic.version = 14 : i64} {
  func.func @_k1_body(%arg0: i32, %arg1: memref<32x64x512xf32, #tpu.memory_space<vmem>>, %arg2: memref<64x64xf32, #tpu.memory_space<vmem>>, %arg3: memref<64x1xf32, #tpu.memory_space<vmem>>, %arg4: memref<64x1xf32, #tpu.memory_space<vmem>>, %arg5: memref<1x1xf32, #tpu.memory_space<vmem>>, %arg6: memref<64x16xf32, #tpu.memory_space<vmem>>, %arg7: memref<64x1xf32, #tpu.memory_space<vmem>>, %arg8: memref<32x512xf32, #tpu.memory_space<vmem>>, %arg9: memref<32x16x512xf32, #tpu.memory_space<vmem>>, %arg10: memref<64x32xf32, #tpu.memory_space<vmem>>) attributes {dimension_semantics = [#tpu.dimension_semantics<arbitrary>], iteration_bounds = array<i64: 16>, scalar_prefetch = 0 : i64, scratch_operands = 0 : i64, tpu.core_type = #tpu.core_type<tc>, window_params = [{transform_indices = @transform_0, window_bounds = array<i64: 32, 64, 512>}, {pipeline_mode = #tpu.pipeline_mode<synchronous>, transform_indices = @transform_1, window_bounds = array<i64: 64, 64>}, {pipeline_mode = #tpu.pipeline_mode<synchronous>, transform_indices = @transform_2, window_bounds = array<i64: 64, 1>}, {pipeline_mode = #tpu.pipeline_mode<synchronous>, transform_indices = @transform_3, window_bounds = array<i64: 64, 1>}, {pipeline_mode = #tpu.pipeline_mode<synchronous>, transform_indices = @transform_4, window_bounds = array<i64: 1, 1>}, {pipeline_mode = #tpu.pipeline_mode<synchronous>, transform_indices = @transform_5, window_bounds = array<i64: 64, 16>}, {pipeline_mode = #tpu.pipeline_mode<synchronous>, transform_indices = @transform_6, window_bounds = array<i64: 64, 1>}, {transform_indices = @transform_7, window_bounds = array<i64: 32, 512>}, {transform_indices = @transform_8, window_bounds = array<i64: 32, 16, 512>}, {pipeline_mode = #tpu.pipeline_mode<synchronous>, transform_indices = @transform_9, window_bounds = array<i64: 64, 32>}]} {
    %get3A = arith.constant 0 : index
    %get3A_0 = arith.constant 0 : index
    %get3A_1 = vector.load %arg2[%get3A, %get3A_0] : memref<64x64xf32, #tpu.memory_space<vmem>>, vector<64x64xf32>
    %convert_element_type3A = arith.truncf %get3A_1 : vector<64x64xf32> to vector<64x64xbf16>
    %get3A_2 = arith.constant 0 : index
    %get3A_3 = arith.constant 0 : index
    %get3A_4 = vector.load %arg3[%get3A_2, %get3A_3] : memref<64x1xf32, #tpu.memory_space<vmem>>, vector<64x1xf32>
    %get3A_5 = arith.constant 0 : index
    %get3A_6 = arith.constant 0 : index
    %get3A_7 = vector.load %arg4[%get3A_5, %get3A_6] : memref<64x1xf32, #tpu.memory_space<vmem>>, vector<64x1xf32>
    %convert_element_type3A_8 = arith.truncf %get3A_7 : vector<64x1xf32> to vector<64x1xbf16>
    %get3A_9 = arith.constant 0 : index
    %get3A_10 = arith.constant 0 : index
    %get3A_11 = vector.load %arg5[%get3A_9, %get3A_10] : memref<1x1xf32, #tpu.memory_space<vmem>>, vector<1x1xf32>
    %get3A_12 = vector.extract %get3A_11[0, 0] : f32 from vector<1x1xf32>
    %get3A_13 = arith.constant 0 : index
    %get3A_14 = arith.constant 0 : index
    %get3A_15 = vector.load %arg6[%get3A_13, %get3A_14] : memref<64x16xf32, #tpu.memory_space<vmem>>, vector<64x16xf32>
    %get3A_16 = arith.constant 0 : index
    %get3A_17 = arith.constant 0 : index
    %get3A_18 = vector.load %arg7[%get3A_16, %get3A_17] : memref<64x1xf32, #tpu.memory_space<vmem>>, vector<64x1xf32>
    %div3A = vector.broadcast %get3A_18 : vector<64x1xf32> to vector<64x16xf32>
    %div3A_19 = arith.divf %get3A_15, %div3A : vector<64x16xf32>
    %convert_element_type3A_20 = arith.truncf %div3A_19 : vector<64x16xf32> to vector<64x16xbf16>
    %get3A_21 = arith.constant 0 : index
    %get3A_22 = arith.constant 0 : index
    %get3A_23 = arith.constant 0 : index
    %get3A_24 = vector.load %arg1[%get3A_21, %get3A_22, %get3A_23] : memref<32x64x512xf32, #tpu.memory_space<vmem>>, vector<1x64x512xf32>
    %get3A_25 = vector.shape_cast %get3A_24 : vector<1x64x512xf32> to vector<64x512xf32>
    %get3A_26 = arith.constant 1 : index
    %get3A_27 = arith.constant 0 : index
    %get3A_28 = arith.constant 0 : index
    %get3A_29 = vector.load %arg1[%get3A_26, %get3A_27, %get3A_28] : memref<32x64x512xf32, #tpu.memory_space<vmem>>, vector<1x64x512xf32>
    %get3A_30 = vector.shape_cast %get3A_29 : vector<1x64x512xf32> to vector<64x512xf32>
    %get3A_31 = arith.constant 2 : index
    %get3A_32 = arith.constant 0 : index
    %get3A_33 = arith.constant 0 : index
    %get3A_34 = vector.load %arg1[%get3A_31, %get3A_32, %get3A_33] : memref<32x64x512xf32, #tpu.memory_space<vmem>>, vector<1x64x512xf32>
    %get3A_35 = vector.shape_cast %get3A_34 : vector<1x64x512xf32> to vector<64x512xf32>
    %get3A_36 = arith.constant 3 : index
    %get3A_37 = arith.constant 0 : index
    %get3A_38 = arith.constant 0 : index
    %get3A_39 = vector.load %arg1[%get3A_36, %get3A_37, %get3A_38] : memref<32x64x512xf32, #tpu.memory_space<vmem>>, vector<1x64x512xf32>
    %get3A_40 = vector.shape_cast %get3A_39 : vector<1x64x512xf32> to vector<64x512xf32>
    %get3A_41 = arith.constant 4 : index
    %get3A_42 = arith.constant 0 : index
    %get3A_43 = arith.constant 0 : index
    %get3A_44 = vector.load %arg1[%get3A_41, %get3A_42, %get3A_43] : memref<32x64x512xf32, #tpu.memory_space<vmem>>, vector<1x64x512xf32>
    %get3A_45 = vector.shape_cast %get3A_44 : vector<1x64x512xf32> to vector<64x512xf32>
    %get3A_46 = arith.constant 5 : index
    %get3A_47 = arith.constant 0 : index
    %get3A_48 = arith.constant 0 : index
    %get3A_49 = vector.load %arg1[%get3A_46, %get3A_47, %get3A_48] : memref<32x64x512xf32, #tpu.memory_space<vmem>>, vector<1x64x512xf32>
    %get3A_50 = vector.shape_cast %get3A_49 : vector<1x64x512xf32> to vector<64x512xf32>
    %get3A_51 = arith.constant 6 : index
    %get3A_52 = arith.constant 0 : index
    %get3A_53 = arith.constant 0 : index
    %get3A_54 = vector.load %arg1[%get3A_51, %get3A_52, %get3A_53] : memref<32x64x512xf32, #tpu.memory_space<vmem>>, vector<1x64x512xf32>
    %get3A_55 = vector.shape_cast %get3A_54 : vector<1x64x512xf32> to vector<64x512xf32>
    %get3A_56 = arith.constant 7 : index
    %get3A_57 = arith.constant 0 : index
    %get3A_58 = arith.constant 0 : index
    %get3A_59 = vector.load %arg1[%get3A_56, %get3A_57, %get3A_58] : memref<32x64x512xf32, #tpu.memory_space<vmem>>, vector<1x64x512xf32>
    %get3A_60 = vector.shape_cast %get3A_59 : vector<1x64x512xf32> to vector<64x512xf32>
    %get3A_61 = arith.constant 8 : index
    %get3A_62 = arith.constant 0 : index
    %get3A_63 = arith.constant 0 : index
    %get3A_64 = vector.load %arg1[%get3A_61, %get3A_62, %get3A_63] : memref<32x64x512xf32, #tpu.memory_space<vmem>>, vector<1x64x512xf32>
    %get3A_65 = vector.shape_cast %get3A_64 : vector<1x64x512xf32> to vector<64x512xf32>
    %get3A_66 = arith.constant 9 : index
    %get3A_67 = arith.constant 0 : index
    %get3A_68 = arith.constant 0 : index
    %get3A_69 = vector.load %arg1[%get3A_66, %get3A_67, %get3A_68] : memref<32x64x512xf32, #tpu.memory_space<vmem>>, vector<1x64x512xf32>
    %get3A_70 = vector.shape_cast %get3A_69 : vector<1x64x512xf32> to vector<64x512xf32>
    %get3A_71 = arith.constant 10 : index
    %get3A_72 = arith.constant 0 : index
    %get3A_73 = arith.constant 0 : index
    %get3A_74 = vector.load %arg1[%get3A_71, %get3A_72, %get3A_73] : memref<32x64x512xf32, #tpu.memory_space<vmem>>, vector<1x64x512xf32>
    %get3A_75 = vector.shape_cast %get3A_74 : vector<1x64x512xf32> to vector<64x512xf32>
    %get3A_76 = arith.constant 11 : index
    %get3A_77 = arith.constant 0 : index
    %get3A_78 = arith.constant 0 : index
    %get3A_79 = vector.load %arg1[%get3A_76, %get3A_77, %get3A_78] : memref<32x64x512xf32, #tpu.memory_space<vmem>>, vector<1x64x512xf32>
    %get3A_80 = vector.shape_cast %get3A_79 : vector<1x64x512xf32> to vector<64x512xf32>
    %get3A_81 = arith.constant 12 : index
    %get3A_82 = arith.constant 0 : index
    %get3A_83 = arith.constant 0 : index
    %get3A_84 = vector.load %arg1[%get3A_81, %get3A_82, %get3A_83] : memref<32x64x512xf32, #tpu.memory_space<vmem>>, vector<1x64x512xf32>
    %get3A_85 = vector.shape_cast %get3A_84 : vector<1x64x512xf32> to vector<64x512xf32>
    %get3A_86 = arith.constant 13 : index
    %get3A_87 = arith.constant 0 : index
    %get3A_88 = arith.constant 0 : index
    %get3A_89 = vector.load %arg1[%get3A_86, %get3A_87, %get3A_88] : memref<32x64x512xf32, #tpu.memory_space<vmem>>, vector<1x64x512xf32>
    %get3A_90 = vector.shape_cast %get3A_89 : vector<1x64x512xf32> to vector<64x512xf32>
    %get3A_91 = arith.constant 14 : index
    %get3A_92 = arith.constant 0 : index
    %get3A_93 = arith.constant 0 : index
    %get3A_94 = vector.load %arg1[%get3A_91, %get3A_92, %get3A_93] : memref<32x64x512xf32, #tpu.memory_space<vmem>>, vector<1x64x512xf32>
    %get3A_95 = vector.shape_cast %get3A_94 : vector<1x64x512xf32> to vector<64x512xf32>
    %get3A_96 = arith.constant 15 : index
    %get3A_97 = arith.constant 0 : index
    %get3A_98 = arith.constant 0 : index
    %get3A_99 = vector.load %arg1[%get3A_96, %get3A_97, %get3A_98] : memref<32x64x512xf32, #tpu.memory_space<vmem>>, vector<1x64x512xf32>
    %get3A_100 = vector.shape_cast %get3A_99 : vector<1x64x512xf32> to vector<64x512xf32>
    %get3A_101 = arith.constant 16 : index
    %get3A_102 = arith.constant 0 : index
    %get3A_103 = arith.constant 0 : index
    %get3A_104 = vector.load %arg1[%get3A_101, %get3A_102, %get3A_103] : memref<32x64x512xf32, #tpu.memory_space<vmem>>, vector<1x64x512xf32>
    %get3A_105 = vector.shape_cast %get3A_104 : vector<1x64x512xf32> to vector<64x512xf32>
    %get3A_106 = arith.constant 17 : index
    %get3A_107 = arith.constant 0 : index
    %get3A_108 = arith.constant 0 : index
    %get3A_109 = vector.load %arg1[%get3A_106, %get3A_107, %get3A_108] : memref<32x64x512xf32, #tpu.memory_space<vmem>>, vector<1x64x512xf32>
    %get3A_110 = vector.shape_cast %get3A_109 : vector<1x64x512xf32> to vector<64x512xf32>
    %get3A_111 = arith.constant 18 : index
    %get3A_112 = arith.constant 0 : index
    %get3A_113 = arith.constant 0 : index
    %get3A_114 = vector.load %arg1[%get3A_111, %get3A_112, %get3A_113] : memref<32x64x512xf32, #tpu.memory_space<vmem>>, vector<1x64x512xf32>
    %get3A_115 = vector.shape_cast %get3A_114 : vector<1x64x512xf32> to vector<64x512xf32>
    %get3A_116 = arith.constant 19 : index
    %get3A_117 = arith.constant 0 : index
    %get3A_118 = arith.constant 0 : index
    %get3A_119 = vector.load %arg1[%get3A_116, %get3A_117, %get3A_118] : memref<32x64x512xf32, #tpu.memory_space<vmem>>, vector<1x64x512xf32>
    %get3A_120 = vector.shape_cast %get3A_119 : vector<1x64x512xf32> to vector<64x512xf32>
    %get3A_121 = arith.constant 20 : index
    %get3A_122 = arith.constant 0 : index
    %get3A_123 = arith.constant 0 : index
    %get3A_124 = vector.load %arg1[%get3A_121, %get3A_122, %get3A_123] : memref<32x64x512xf32, #tpu.memory_space<vmem>>, vector<1x64x512xf32>
    %get3A_125 = vector.shape_cast %get3A_124 : vector<1x64x512xf32> to vector<64x512xf32>
    %get3A_126 = arith.constant 21 : index
    %get3A_127 = arith.constant 0 : index
    %get3A_128 = arith.constant 0 : index
    %get3A_129 = vector.load %arg1[%get3A_126, %get3A_127, %get3A_128] : memref<32x64x512xf32, #tpu.memory_space<vmem>>, vector<1x64x512xf32>
    %get3A_130 = vector.shape_cast %get3A_129 : vector<1x64x512xf32> to vector<64x512xf32>
    %get3A_131 = arith.constant 22 : index
    %get3A_132 = arith.constant 0 : index
    %get3A_133 = arith.constant 0 : index
    %get3A_134 = vector.load %arg1[%get3A_131, %get3A_132, %get3A_133] : memref<32x64x512xf32, #tpu.memory_space<vmem>>, vector<1x64x512xf32>
    %get3A_135 = vector.shape_cast %get3A_134 : vector<1x64x512xf32> to vector<64x512xf32>
    %get3A_136 = arith.constant 23 : index
    %get3A_137 = arith.constant 0 : index
    %get3A_138 = arith.constant 0 : index
    %get3A_139 = vector.load %arg1[%get3A_136, %get3A_137, %get3A_138] : memref<32x64x512xf32, #tpu.memory_space<vmem>>, vector<1x64x512xf32>
    %get3A_140 = vector.shape_cast %get3A_139 : vector<1x64x512xf32> to vector<64x512xf32>
    %get3A_141 = arith.constant 24 : index
    %get3A_142 = arith.constant 0 : index
    %get3A_143 = arith.constant 0 : index
    %get3A_144 = vector.load %arg1[%get3A_141, %get3A_142, %get3A_143] : memref<32x64x512xf32, #tpu.memory_space<vmem>>, vector<1x64x512xf32>
    %get3A_145 = vector.shape_cast %get3A_144 : vector<1x64x512xf32> to vector<64x512xf32>
    %get3A_146 = arith.constant 25 : index
    %get3A_147 = arith.constant 0 : index
    %get3A_148 = arith.constant 0 : index
    %get3A_149 = vector.load %arg1[%get3A_146, %get3A_147, %get3A_148] : memref<32x64x512xf32, #tpu.memory_space<vmem>>, vector<1x64x512xf32>
    %get3A_150 = vector.shape_cast %get3A_149 : vector<1x64x512xf32> to vector<64x512xf32>
    %get3A_151 = arith.constant 26 : index
    %get3A_152 = arith.constant 0 : index
    %get3A_153 = arith.constant 0 : index
    %get3A_154 = vector.load %arg1[%get3A_151, %get3A_152, %get3A_153] : memref<32x64x512xf32, #tpu.memory_space<vmem>>, vector<1x64x512xf32>
    %get3A_155 = vector.shape_cast %get3A_154 : vector<1x64x512xf32> to vector<64x512xf32>
    %get3A_156 = arith.constant 27 : index
    %get3A_157 = arith.constant 0 : index
    %get3A_158 = arith.constant 0 : index
    %get3A_159 = vector.load %arg1[%get3A_156, %get3A_157, %get3A_158] : memref<32x64x512xf32, #tpu.memory_space<vmem>>, vector<1x64x512xf32>
    %get3A_160 = vector.shape_cast %get3A_159 : vector<1x64x512xf32> to vector<64x512xf32>
    %get3A_161 = arith.constant 28 : index
    %get3A_162 = arith.constant 0 : index
    %get3A_163 = arith.constant 0 : index
    %get3A_164 = vector.load %arg1[%get3A_161, %get3A_162, %get3A_163] : memref<32x64x512xf32, #tpu.memory_space<vmem>>, vector<1x64x512xf32>
    %get3A_165 = vector.shape_cast %get3A_164 : vector<1x64x512xf32> to vector<64x512xf32>
    %get3A_166 = arith.constant 29 : index
    %get3A_167 = arith.constant 0 : index
    %get3A_168 = arith.constant 0 : index
    %get3A_169 = vector.load %arg1[%get3A_166, %get3A_167, %get3A_168] : memref<32x64x512xf32, #tpu.memory_space<vmem>>, vector<1x64x512xf32>
    %get3A_170 = vector.shape_cast %get3A_169 : vector<1x64x512xf32> to vector<64x512xf32>
    %get3A_171 = arith.constant 30 : index
    %get3A_172 = arith.constant 0 : index
    %get3A_173 = arith.constant 0 : index
    %get3A_174 = vector.load %arg1[%get3A_171, %get3A_172, %get3A_173] : memref<32x64x512xf32, #tpu.memory_space<vmem>>, vector<1x64x512xf32>
    %get3A_175 = vector.shape_cast %get3A_174 : vector<1x64x512xf32> to vector<64x512xf32>
    %get3A_176 = arith.constant 31 : index
    %get3A_177 = arith.constant 0 : index
    %get3A_178 = arith.constant 0 : index
    %get3A_179 = vector.load %arg1[%get3A_176, %get3A_177, %get3A_178] : memref<32x64x512xf32, #tpu.memory_space<vmem>>, vector<1x64x512xf32>
    %get3A_180 = vector.shape_cast %get3A_179 : vector<1x64x512xf32> to vector<64x512xf32>
    %convert_element_type3A_181 = arith.truncf %get3A_25 : vector<64x512xf32> to vector<64x512xbf16>
    %convert_element_type3A_182 = arith.truncf %get3A_30 : vector<64x512xf32> to vector<64x512xbf16>
    %convert_element_type3A_183 = arith.truncf %get3A_35 : vector<64x512xf32> to vector<64x512xbf16>
    %convert_element_type3A_184 = arith.truncf %get3A_40 : vector<64x512xf32> to vector<64x512xbf16>
    %convert_element_type3A_185 = arith.truncf %get3A_45 : vector<64x512xf32> to vector<64x512xbf16>
    %convert_element_type3A_186 = arith.truncf %get3A_50 : vector<64x512xf32> to vector<64x512xbf16>
    %convert_element_type3A_187 = arith.truncf %get3A_55 : vector<64x512xf32> to vector<64x512xbf16>
    %convert_element_type3A_188 = arith.truncf %get3A_60 : vector<64x512xf32> to vector<64x512xbf16>
    %convert_element_type3A_189 = arith.truncf %get3A_65 : vector<64x512xf32> to vector<64x512xbf16>
    %convert_element_type3A_190 = arith.truncf %get3A_70 : vector<64x512xf32> to vector<64x512xbf16>
    %convert_element_type3A_191 = arith.truncf %get3A_75 : vector<64x512xf32> to vector<64x512xbf16>
    %convert_element_type3A_192 = arith.truncf %get3A_80 : vector<64x512xf32> to vector<64x512xbf16>
    %convert_element_type3A_193 = arith.truncf %get3A_85 : vector<64x512xf32> to vector<64x512xbf16>
    %convert_element_type3A_194 = arith.truncf %get3A_90 : vector<64x512xf32> to vector<64x512xbf16>
    %convert_element_type3A_195 = arith.truncf %get3A_95 : vector<64x512xf32> to vector<64x512xbf16>
    %convert_element_type3A_196 = arith.truncf %get3A_100 : vector<64x512xf32> to vector<64x512xbf16>
    %convert_element_type3A_197 = arith.truncf %get3A_105 : vector<64x512xf32> to vector<64x512xbf16>
    %convert_element_type3A_198 = arith.truncf %get3A_110 : vector<64x512xf32> to vector<64x512xbf16>
    %convert_element_type3A_199 = arith.truncf %get3A_115 : vector<64x512xf32> to vector<64x512xbf16>
    %convert_element_type3A_200 = arith.truncf %get3A_120 : vector<64x512xf32> to vector<64x512xbf16>
    %convert_element_type3A_201 = arith.truncf %get3A_125 : vector<64x512xf32> to vector<64x512xbf16>
    %convert_element_type3A_202 = arith.truncf %get3A_130 : vector<64x512xf32> to vector<64x512xbf16>
    %convert_element_type3A_203 = arith.truncf %get3A_135 : vector<64x512xf32> to vector<64x512xbf16>
    %convert_element_type3A_204 = arith.truncf %get3A_140 : vector<64x512xf32> to vector<64x512xbf16>
    %convert_element_type3A_205 = arith.truncf %get3A_145 : vector<64x512xf32> to vector<64x512xbf16>
    %convert_element_type3A_206 = arith.truncf %get3A_150 : vector<64x512xf32> to vector<64x512xbf16>
    %convert_element_type3A_207 = arith.truncf %get3A_155 : vector<64x512xf32> to vector<64x512xbf16>
    %convert_element_type3A_208 = arith.truncf %get3A_160 : vector<64x512xf32> to vector<64x512xbf16>
    %convert_element_type3A_209 = arith.truncf %get3A_165 : vector<64x512xf32> to vector<64x512xbf16>
    %convert_element_type3A_210 = arith.truncf %get3A_170 : vector<64x512xf32> to vector<64x512xbf16>
    %convert_element_type3A_211 = arith.truncf %get3A_175 : vector<64x512xf32> to vector<64x512xbf16>
    %convert_element_type3A_212 = arith.truncf %get3A_180 : vector<64x512xf32> to vector<64x512xbf16>
    %dot_general3A = arith.constant dense<0.000000e+00> : vector<64x512xf32>
    %dot_general3A_213 = tpu.matmul %convert_element_type3A, %convert_element_type3A_181, %dot_general3A {dimension_numbers = #tpu.dot_dimension_numbers<[0], [0], [1], [1], [0, 1, 1, 1], [], []>, transpose_lhs_hint = false} : vector<64x64xbf16>, vector<64x512xbf16>, vector<64x512xf32> -> vector<64x512xf32>
    %add3A = vector.broadcast %get3A_4 : vector<64x1xf32> to vector<64x512xf32>
    %add3A_214 = arith.addf %dot_general3A_213, %add3A : vector<64x512xf32>
    %tanh3A = math.tanh %add3A_214 : vector<64x512xf32>
    %dot_general3A_215 = arith.constant dense<0.000000e+00> : vector<64x512xf32>
    %dot_general3A_216 = tpu.matmul %convert_element_type3A, %convert_element_type3A_182, %dot_general3A_215 {dimension_numbers = #tpu.dot_dimension_numbers<[0], [0], [1], [1], [0, 1, 1, 1], [], []>, transpose_lhs_hint = false} : vector<64x64xbf16>, vector<64x512xbf16>, vector<64x512xf32> -> vector<64x512xf32>
    %add3A_217 = vector.broadcast %get3A_4 : vector<64x1xf32> to vector<64x512xf32>
    %add3A_218 = arith.addf %dot_general3A_216, %add3A_217 : vector<64x512xf32>
    %tanh3A_219 = math.tanh %add3A_218 : vector<64x512xf32>
    %dot_general3A_220 = arith.constant dense<0.000000e+00> : vector<64x512xf32>
    %dot_general3A_221 = tpu.matmul %convert_element_type3A, %convert_element_type3A_183, %dot_general3A_220 {dimension_numbers = #tpu.dot_dimension_numbers<[0], [0], [1], [1], [0, 1, 1, 1], [], []>, transpose_lhs_hint = false} : vector<64x64xbf16>, vector<64x512xbf16>, vector<64x512xf32> -> vector<64x512xf32>
    %add3A_222 = vector.broadcast %get3A_4 : vector<64x1xf32> to vector<64x512xf32>
    %add3A_223 = arith.addf %dot_general3A_221, %add3A_222 : vector<64x512xf32>
    %tanh3A_224 = math.tanh %add3A_223 : vector<64x512xf32>
    %dot_general3A_225 = arith.constant dense<0.000000e+00> : vector<64x512xf32>
    %dot_general3A_226 = tpu.matmul %convert_element_type3A, %convert_element_type3A_184, %dot_general3A_225 {dimension_numbers = #tpu.dot_dimension_numbers<[0], [0], [1], [1], [0, 1, 1, 1], [], []>, transpose_lhs_hint = false} : vector<64x64xbf16>, vector<64x512xbf16>, vector<64x512xf32> -> vector<64x512xf32>
    %add3A_227 = vector.broadcast %get3A_4 : vector<64x1xf32> to vector<64x512xf32>
    %add3A_228 = arith.addf %dot_general3A_226, %add3A_227 : vector<64x512xf32>
    %tanh3A_229 = math.tanh %add3A_228 : vector<64x512xf32>
    %dot_general3A_230 = arith.constant dense<0.000000e+00> : vector<64x512xf32>
    %dot_general3A_231 = tpu.matmul %convert_element_type3A, %convert_element_type3A_185, %dot_general3A_230 {dimension_numbers = #tpu.dot_dimension_numbers<[0], [0], [1], [1], [0, 1, 1, 1], [], []>, transpose_lhs_hint = false} : vector<64x64xbf16>, vector<64x512xbf16>, vector<64x512xf32> -> vector<64x512xf32>
    %add3A_232 = vector.broadcast %get3A_4 : vector<64x1xf32> to vector<64x512xf32>
    %add3A_233 = arith.addf %dot_general3A_231, %add3A_232 : vector<64x512xf32>
    %tanh3A_234 = math.tanh %add3A_233 : vector<64x512xf32>
    %dot_general3A_235 = arith.constant dense<0.000000e+00> : vector<64x512xf32>
    %dot_general3A_236 = tpu.matmul %convert_element_type3A, %convert_element_type3A_186, %dot_general3A_235 {dimension_numbers = #tpu.dot_dimension_numbers<[0], [0], [1], [1], [0, 1, 1, 1], [], []>, transpose_lhs_hint = false} : vector<64x64xbf16>, vector<64x512xbf16>, vector<64x512xf32> -> vector<64x512xf32>
    %add3A_237 = vector.broadcast %get3A_4 : vector<64x1xf32> to vector<64x512xf32>
    %add3A_238 = arith.addf %dot_general3A_236, %add3A_237 : vector<64x512xf32>
    %tanh3A_239 = math.tanh %add3A_238 : vector<64x512xf32>
    %dot_general3A_240 = arith.constant dense<0.000000e+00> : vector<64x512xf32>
    %dot_general3A_241 = tpu.matmul %convert_element_type3A, %convert_element_type3A_187, %dot_general3A_240 {dimension_numbers = #tpu.dot_dimension_numbers<[0], [0], [1], [1], [0, 1, 1, 1], [], []>, transpose_lhs_hint = false} : vector<64x64xbf16>, vector<64x512xbf16>, vector<64x512xf32> -> vector<64x512xf32>
    %add3A_242 = vector.broadcast %get3A_4 : vector<64x1xf32> to vector<64x512xf32>
    %add3A_243 = arith.addf %dot_general3A_241, %add3A_242 : vector<64x512xf32>
    %tanh3A_244 = math.tanh %add3A_243 : vector<64x512xf32>
    %dot_general3A_245 = arith.constant dense<0.000000e+00> : vector<64x512xf32>
    %dot_general3A_246 = tpu.matmul %convert_element_type3A, %convert_element_type3A_188, %dot_general3A_245 {dimension_numbers = #tpu.dot_dimension_numbers<[0], [0], [1], [1], [0, 1, 1, 1], [], []>, transpose_lhs_hint = false} : vector<64x64xbf16>, vector<64x512xbf16>, vector<64x512xf32> -> vector<64x512xf32>
    %add3A_247 = vector.broadcast %get3A_4 : vector<64x1xf32> to vector<64x512xf32>
    %add3A_248 = arith.addf %dot_general3A_246, %add3A_247 : vector<64x512xf32>
    %tanh3A_249 = math.tanh %add3A_248 : vector<64x512xf32>
    %dot_general3A_250 = arith.constant dense<0.000000e+00> : vector<64x512xf32>
    %dot_general3A_251 = tpu.matmul %convert_element_type3A, %convert_element_type3A_189, %dot_general3A_250 {dimension_numbers = #tpu.dot_dimension_numbers<[0], [0], [1], [1], [0, 1, 1, 1], [], []>, transpose_lhs_hint = false} : vector<64x64xbf16>, vector<64x512xbf16>, vector<64x512xf32> -> vector<64x512xf32>
    %add3A_252 = vector.broadcast %get3A_4 : vector<64x1xf32> to vector<64x512xf32>
    %add3A_253 = arith.addf %dot_general3A_251, %add3A_252 : vector<64x512xf32>
    %tanh3A_254 = math.tanh %add3A_253 : vector<64x512xf32>
    %dot_general3A_255 = arith.constant dense<0.000000e+00> : vector<64x512xf32>
    %dot_general3A_256 = tpu.matmul %convert_element_type3A, %convert_element_type3A_190, %dot_general3A_255 {dimension_numbers = #tpu.dot_dimension_numbers<[0], [0], [1], [1], [0, 1, 1, 1], [], []>, transpose_lhs_hint = false} : vector<64x64xbf16>, vector<64x512xbf16>, vector<64x512xf32> -> vector<64x512xf32>
    %add3A_257 = vector.broadcast %get3A_4 : vector<64x1xf32> to vector<64x512xf32>
    %add3A_258 = arith.addf %dot_general3A_256, %add3A_257 : vector<64x512xf32>
    %tanh3A_259 = math.tanh %add3A_258 : vector<64x512xf32>
    %dot_general3A_260 = arith.constant dense<0.000000e+00> : vector<64x512xf32>
    %dot_general3A_261 = tpu.matmul %convert_element_type3A, %convert_element_type3A_191, %dot_general3A_260 {dimension_numbers = #tpu.dot_dimension_numbers<[0], [0], [1], [1], [0, 1, 1, 1], [], []>, transpose_lhs_hint = false} : vector<64x64xbf16>, vector<64x512xbf16>, vector<64x512xf32> -> vector<64x512xf32>
    %add3A_262 = vector.broadcast %get3A_4 : vector<64x1xf32> to vector<64x512xf32>
    %add3A_263 = arith.addf %dot_general3A_261, %add3A_262 : vector<64x512xf32>
    %tanh3A_264 = math.tanh %add3A_263 : vector<64x512xf32>
    %dot_general3A_265 = arith.constant dense<0.000000e+00> : vector<64x512xf32>
    %dot_general3A_266 = tpu.matmul %convert_element_type3A, %convert_element_type3A_192, %dot_general3A_265 {dimension_numbers = #tpu.dot_dimension_numbers<[0], [0], [1], [1], [0, 1, 1, 1], [], []>, transpose_lhs_hint = false} : vector<64x64xbf16>, vector<64x512xbf16>, vector<64x512xf32> -> vector<64x512xf32>
    %add3A_267 = vector.broadcast %get3A_4 : vector<64x1xf32> to vector<64x512xf32>
    %add3A_268 = arith.addf %dot_general3A_266, %add3A_267 : vector<64x512xf32>
    %tanh3A_269 = math.tanh %add3A_268 : vector<64x512xf32>
    %dot_general3A_270 = arith.constant dense<0.000000e+00> : vector<64x512xf32>
    %dot_general3A_271 = tpu.matmul %convert_element_type3A, %convert_element_type3A_193, %dot_general3A_270 {dimension_numbers = #tpu.dot_dimension_numbers<[0], [0], [1], [1], [0, 1, 1, 1], [], []>, transpose_lhs_hint = false} : vector<64x64xbf16>, vector<64x512xbf16>, vector<64x512xf32> -> vector<64x512xf32>
    %add3A_272 = vector.broadcast %get3A_4 : vector<64x1xf32> to vector<64x512xf32>
    %add3A_273 = arith.addf %dot_general3A_271, %add3A_272 : vector<64x512xf32>
    %tanh3A_274 = math.tanh %add3A_273 : vector<64x512xf32>
    %dot_general3A_275 = arith.constant dense<0.000000e+00> : vector<64x512xf32>
    %dot_general3A_276 = tpu.matmul %convert_element_type3A, %convert_element_type3A_194, %dot_general3A_275 {dimension_numbers = #tpu.dot_dimension_numbers<[0], [0], [1], [1], [0, 1, 1, 1], [], []>, transpose_lhs_hint = false} : vector<64x64xbf16>, vector<64x512xbf16>, vector<64x512xf32> -> vector<64x512xf32>
    %add3A_277 = vector.broadcast %get3A_4 : vector<64x1xf32> to vector<64x512xf32>
    %add3A_278 = arith.addf %dot_general3A_276, %add3A_277 : vector<64x512xf32>
    %tanh3A_279 = math.tanh %add3A_278 : vector<64x512xf32>
    %dot_general3A_280 = arith.constant dense<0.000000e+00> : vector<64x512xf32>
    %dot_general3A_281 = tpu.matmul %convert_element_type3A, %convert_element_type3A_195, %dot_general3A_280 {dimension_numbers = #tpu.dot_dimension_numbers<[0], [0], [1], [1], [0, 1, 1, 1], [], []>, transpose_lhs_hint = false} : vector<64x64xbf16>, vector<64x512xbf16>, vector<64x512xf32> -> vector<64x512xf32>
    %add3A_282 = vector.broadcast %get3A_4 : vector<64x1xf32> to vector<64x512xf32>
    %add3A_283 = arith.addf %dot_general3A_281, %add3A_282 : vector<64x512xf32>
    %tanh3A_284 = math.tanh %add3A_283 : vector<64x512xf32>
    %dot_general3A_285 = arith.constant dense<0.000000e+00> : vector<64x512xf32>
    %dot_general3A_286 = tpu.matmul %convert_element_type3A, %convert_element_type3A_196, %dot_general3A_285 {dimension_numbers = #tpu.dot_dimension_numbers<[0], [0], [1], [1], [0, 1, 1, 1], [], []>, transpose_lhs_hint = false} : vector<64x64xbf16>, vector<64x512xbf16>, vector<64x512xf32> -> vector<64x512xf32>
    %add3A_287 = vector.broadcast %get3A_4 : vector<64x1xf32> to vector<64x512xf32>
    %add3A_288 = arith.addf %dot_general3A_286, %add3A_287 : vector<64x512xf32>
    %tanh3A_289 = math.tanh %add3A_288 : vector<64x512xf32>
    %dot_general3A_290 = arith.constant dense<0.000000e+00> : vector<64x512xf32>
    %dot_general3A_291 = tpu.matmul %convert_element_type3A, %convert_element_type3A_197, %dot_general3A_290 {dimension_numbers = #tpu.dot_dimension_numbers<[0], [0], [1], [1], [0, 1, 1, 1], [], []>, transpose_lhs_hint = false} : vector<64x64xbf16>, vector<64x512xbf16>, vector<64x512xf32> -> vector<64x512xf32>
    %add3A_292 = vector.broadcast %get3A_4 : vector<64x1xf32> to vector<64x512xf32>
    %add3A_293 = arith.addf %dot_general3A_291, %add3A_292 : vector<64x512xf32>
    %tanh3A_294 = math.tanh %add3A_293 : vector<64x512xf32>
    %dot_general3A_295 = arith.constant dense<0.000000e+00> : vector<64x512xf32>
    %dot_general3A_296 = tpu.matmul %convert_element_type3A, %convert_element_type3A_198, %dot_general3A_295 {dimension_numbers = #tpu.dot_dimension_numbers<[0], [0], [1], [1], [0, 1, 1, 1], [], []>, transpose_lhs_hint = false} : vector<64x64xbf16>, vector<64x512xbf16>, vector<64x512xf32> -> vector<64x512xf32>
    %add3A_297 = vector.broadcast %get3A_4 : vector<64x1xf32> to vector<64x512xf32>
    %add3A_298 = arith.addf %dot_general3A_296, %add3A_297 : vector<64x512xf32>
    %tanh3A_299 = math.tanh %add3A_298 : vector<64x512xf32>
    %dot_general3A_300 = arith.constant dense<0.000000e+00> : vector<64x512xf32>
    %dot_general3A_301 = tpu.matmul %convert_element_type3A, %convert_element_type3A_199, %dot_general3A_300 {dimension_numbers = #tpu.dot_dimension_numbers<[0], [0], [1], [1], [0, 1, 1, 1], [], []>, transpose_lhs_hint = false} : vector<64x64xbf16>, vector<64x512xbf16>, vector<64x512xf32> -> vector<64x512xf32>
    %add3A_302 = vector.broadcast %get3A_4 : vector<64x1xf32> to vector<64x512xf32>
    %add3A_303 = arith.addf %dot_general3A_301, %add3A_302 : vector<64x512xf32>
    %tanh3A_304 = math.tanh %add3A_303 : vector<64x512xf32>
    %dot_general3A_305 = arith.constant dense<0.000000e+00> : vector<64x512xf32>
    %dot_general3A_306 = tpu.matmul %convert_element_type3A, %convert_element_type3A_200, %dot_general3A_305 {dimension_numbers = #tpu.dot_dimension_numbers<[0], [0], [1], [1], [0, 1, 1, 1], [], []>, transpose_lhs_hint = false} : vector<64x64xbf16>, vector<64x512xbf16>, vector<64x512xf32> -> vector<64x512xf32>
    %add3A_307 = vector.broadcast %get3A_4 : vector<64x1xf32> to vector<64x512xf32>
    %add3A_308 = arith.addf %dot_general3A_306, %add3A_307 : vector<64x512xf32>
    %tanh3A_309 = math.tanh %add3A_308 : vector<64x512xf32>
    %dot_general3A_310 = arith.constant dense<0.000000e+00> : vector<64x512xf32>
    %dot_general3A_311 = tpu.matmul %convert_element_type3A, %convert_element_type3A_201, %dot_general3A_310 {dimension_numbers = #tpu.dot_dimension_numbers<[0], [0], [1], [1], [0, 1, 1, 1], [], []>, transpose_lhs_hint = false} : vector<64x64xbf16>, vector<64x512xbf16>, vector<64x512xf32> -> vector<64x512xf32>
    %add3A_312 = vector.broadcast %get3A_4 : vector<64x1xf32> to vector<64x512xf32>
    %add3A_313 = arith.addf %dot_general3A_311, %add3A_312 : vector<64x512xf32>
    %tanh3A_314 = math.tanh %add3A_313 : vector<64x512xf32>
    %dot_general3A_315 = arith.constant dense<0.000000e+00> : vector<64x512xf32>
    %dot_general3A_316 = tpu.matmul %convert_element_type3A, %convert_element_type3A_202, %dot_general3A_315 {dimension_numbers = #tpu.dot_dimension_numbers<[0], [0], [1], [1], [0, 1, 1, 1], [], []>, transpose_lhs_hint = false} : vector<64x64xbf16>, vector<64x512xbf16>, vector<64x512xf32> -> vector<64x512xf32>
    %add3A_317 = vector.broadcast %get3A_4 : vector<64x1xf32> to vector<64x512xf32>
    %add3A_318 = arith.addf %dot_general3A_316, %add3A_317 : vector<64x512xf32>
    %tanh3A_319 = math.tanh %add3A_318 : vector<64x512xf32>
    %dot_general3A_320 = arith.constant dense<0.000000e+00> : vector<64x512xf32>
    %dot_general3A_321 = tpu.matmul %convert_element_type3A, %convert_element_type3A_203, %dot_general3A_320 {dimension_numbers = #tpu.dot_dimension_numbers<[0], [0], [1], [1], [0, 1, 1, 1], [], []>, transpose_lhs_hint = false} : vector<64x64xbf16>, vector<64x512xbf16>, vector<64x512xf32> -> vector<64x512xf32>
    %add3A_322 = vector.broadcast %get3A_4 : vector<64x1xf32> to vector<64x512xf32>
    %add3A_323 = arith.addf %dot_general3A_321, %add3A_322 : vector<64x512xf32>
    %tanh3A_324 = math.tanh %add3A_323 : vector<64x512xf32>
    %dot_general3A_325 = arith.constant dense<0.000000e+00> : vector<64x512xf32>
    %dot_general3A_326 = tpu.matmul %convert_element_type3A, %convert_element_type3A_204, %dot_general3A_325 {dimension_numbers = #tpu.dot_dimension_numbers<[0], [0], [1], [1], [0, 1, 1, 1], [], []>, transpose_lhs_hint = false} : vector<64x64xbf16>, vector<64x512xbf16>, vector<64x512xf32> -> vector<64x512xf32>
    %add3A_327 = vector.broadcast %get3A_4 : vector<64x1xf32> to vector<64x512xf32>
    %add3A_328 = arith.addf %dot_general3A_326, %add3A_327 : vector<64x512xf32>
    %tanh3A_329 = math.tanh %add3A_328 : vector<64x512xf32>
    %dot_general3A_330 = arith.constant dense<0.000000e+00> : vector<64x512xf32>
    %dot_general3A_331 = tpu.matmul %convert_element_type3A, %convert_element_type3A_205, %dot_general3A_330 {dimension_numbers = #tpu.dot_dimension_numbers<[0], [0], [1], [1], [0, 1, 1, 1], [], []>, transpose_lhs_hint = false} : vector<64x64xbf16>, vector<64x512xbf16>, vector<64x512xf32> -> vector<64x512xf32>
    %add3A_332 = vector.broadcast %get3A_4 : vector<64x1xf32> to vector<64x512xf32>
    %add3A_333 = arith.addf %dot_general3A_331, %add3A_332 : vector<64x512xf32>
    %tanh3A_334 = math.tanh %add3A_333 : vector<64x512xf32>
    %dot_general3A_335 = arith.constant dense<0.000000e+00> : vector<64x512xf32>
    %dot_general3A_336 = tpu.matmul %convert_element_type3A, %convert_element_type3A_206, %dot_general3A_335 {dimension_numbers = #tpu.dot_dimension_numbers<[0], [0], [1], [1], [0, 1, 1, 1], [], []>, transpose_lhs_hint = false} : vector<64x64xbf16>, vector<64x512xbf16>, vector<64x512xf32> -> vector<64x512xf32>
    %add3A_337 = vector.broadcast %get3A_4 : vector<64x1xf32> to vector<64x512xf32>
    %add3A_338 = arith.addf %dot_general3A_336, %add3A_337 : vector<64x512xf32>
    %tanh3A_339 = math.tanh %add3A_338 : vector<64x512xf32>
    %dot_general3A_340 = arith.constant dense<0.000000e+00> : vector<64x512xf32>
    %dot_general3A_341 = tpu.matmul %convert_element_type3A, %convert_element_type3A_207, %dot_general3A_340 {dimension_numbers = #tpu.dot_dimension_numbers<[0], [0], [1], [1], [0, 1, 1, 1], [], []>, transpose_lhs_hint = false} : vector<64x64xbf16>, vector<64x512xbf16>, vector<64x512xf32> -> vector<64x512xf32>
    %add3A_342 = vector.broadcast %get3A_4 : vector<64x1xf32> to vector<64x512xf32>
    %add3A_343 = arith.addf %dot_general3A_341, %add3A_342 : vector<64x512xf32>
    %tanh3A_344 = math.tanh %add3A_343 : vector<64x512xf32>
    %dot_general3A_345 = arith.constant dense<0.000000e+00> : vector<64x512xf32>
    %dot_general3A_346 = tpu.matmul %convert_element_type3A, %convert_element_type3A_208, %dot_general3A_345 {dimension_numbers = #tpu.dot_dimension_numbers<[0], [0], [1], [1], [0, 1, 1, 1], [], []>, transpose_lhs_hint = false} : vector<64x64xbf16>, vector<64x512xbf16>, vector<64x512xf32> -> vector<64x512xf32>
    %add3A_347 = vector.broadcast %get3A_4 : vector<64x1xf32> to vector<64x512xf32>
    %add3A_348 = arith.addf %dot_general3A_346, %add3A_347 : vector<64x512xf32>
    %tanh3A_349 = math.tanh %add3A_348 : vector<64x512xf32>
    %dot_general3A_350 = arith.constant dense<0.000000e+00> : vector<64x512xf32>
    %dot_general3A_351 = tpu.matmul %convert_element_type3A, %convert_element_type3A_209, %dot_general3A_350 {dimension_numbers = #tpu.dot_dimension_numbers<[0], [0], [1], [1], [0, 1, 1, 1], [], []>, transpose_lhs_hint = false} : vector<64x64xbf16>, vector<64x512xbf16>, vector<64x512xf32> -> vector<64x512xf32>
    %add3A_352 = vector.broadcast %get3A_4 : vector<64x1xf32> to vector<64x512xf32>
    %add3A_353 = arith.addf %dot_general3A_351, %add3A_352 : vector<64x512xf32>
    %tanh3A_354 = math.tanh %add3A_353 : vector<64x512xf32>
    %dot_general3A_355 = arith.constant dense<0.000000e+00> : vector<64x512xf32>
    %dot_general3A_356 = tpu.matmul %convert_element_type3A, %convert_element_type3A_210, %dot_general3A_355 {dimension_numbers = #tpu.dot_dimension_numbers<[0], [0], [1], [1], [0, 1, 1, 1], [], []>, transpose_lhs_hint = false} : vector<64x64xbf16>, vector<64x512xbf16>, vector<64x512xf32> -> vector<64x512xf32>
    %add3A_357 = vector.broadcast %get3A_4 : vector<64x1xf32> to vector<64x512xf32>
    %add3A_358 = arith.addf %dot_general3A_356, %add3A_357 : vector<64x512xf32>
    %tanh3A_359 = math.tanh %add3A_358 : vector<64x512xf32>
    %dot_general3A_360 = arith.constant dense<0.000000e+00> : vector<64x512xf32>
    %dot_general3A_361 = tpu.matmul %convert_element_type3A, %convert_element_type3A_211, %dot_general3A_360 {dimension_numbers = #tpu.dot_dimension_numbers<[0], [0], [1], [1], [0, 1, 1, 1], [], []>, transpose_lhs_hint = false} : vector<64x64xbf16>, vector<64x512xbf16>, vector<64x512xf32> -> vector<64x512xf32>
    %add3A_362 = vector.broadcast %get3A_4 : vector<64x1xf32> to vector<64x512xf32>
    %add3A_363 = arith.addf %dot_general3A_361, %add3A_362 : vector<64x512xf32>
    %tanh3A_364 = math.tanh %add3A_363 : vector<64x512xf32>
    %dot_general3A_365 = arith.constant dense<0.000000e+00> : vector<64x512xf32>
    %dot_general3A_366 = tpu.matmul %convert_element_type3A, %convert_element_type3A_212, %dot_general3A_365 {dimension_numbers = #tpu.dot_dimension_numbers<[0], [0], [1], [1], [0, 1, 1, 1], [], []>, transpose_lhs_hint = false} : vector<64x64xbf16>, vector<64x512xbf16>, vector<64x512xf32> -> vector<64x512xf32>
    %add3A_367 = vector.broadcast %get3A_4 : vector<64x1xf32> to vector<64x512xf32>
    %add3A_368 = arith.addf %dot_general3A_366, %add3A_367 : vector<64x512xf32>
    %tanh3A_369 = math.tanh %add3A_368 : vector<64x512xf32>
    %convert_element_type3A_370 = arith.truncf %tanh3A : vector<64x512xf32> to vector<64x512xbf16>
    %dot_general3A_371 = arith.constant dense<0.000000e+00> : vector<1x512xf32>
    %dot_general3A_372 = tpu.matmul %convert_element_type3A_8, %convert_element_type3A_370, %dot_general3A_371 {dimension_numbers = #tpu.dot_dimension_numbers<[0], [0], [1], [1], [0, 1, 1, 1], [], []>, transpose_lhs_hint = false} : vector<64x1xbf16>, vector<64x512xbf16>, vector<1x512xf32> -> vector<1x512xf32>
    %add3A_373 = vector.broadcast %get3A_12 : f32 to vector<1x512xf32>
    %add3A_374 = arith.addf %dot_general3A_372, %add3A_373 : vector<1x512xf32>
    %convert_element_type3A_375 = arith.truncf %tanh3A_219 : vector<64x512xf32> to vector<64x512xbf16>
    %dot_general3A_376 = arith.constant dense<0.000000e+00> : vector<1x512xf32>
    %dot_general3A_377 = tpu.matmul %convert_element_type3A_8, %convert_element_type3A_375, %dot_general3A_376 {dimension_numbers = #tpu.dot_dimension_numbers<[0], [0], [1], [1], [0, 1, 1, 1], [], []>, transpose_lhs_hint = false} : vector<64x1xbf16>, vector<64x512xbf16>, vector<1x512xf32> -> vector<1x512xf32>
    %add3A_378 = vector.broadcast %get3A_12 : f32 to vector<1x512xf32>
    %add3A_379 = arith.addf %dot_general3A_377, %add3A_378 : vector<1x512xf32>
    %convert_element_type3A_380 = arith.truncf %tanh3A_224 : vector<64x512xf32> to vector<64x512xbf16>
    %dot_general3A_381 = arith.constant dense<0.000000e+00> : vector<1x512xf32>
    %dot_general3A_382 = tpu.matmul %convert_element_type3A_8, %convert_element_type3A_380, %dot_general3A_381 {dimension_numbers = #tpu.dot_dimension_numbers<[0], [0], [1], [1], [0, 1, 1, 1], [], []>, transpose_lhs_hint = false} : vector<64x1xbf16>, vector<64x512xbf16>, vector<1x512xf32> -> vector<1x512xf32>
    %add3A_383 = vector.broadcast %get3A_12 : f32 to vector<1x512xf32>
    %add3A_384 = arith.addf %dot_general3A_382, %add3A_383 : vector<1x512xf32>
    %convert_element_type3A_385 = arith.truncf %tanh3A_229 : vector<64x512xf32> to vector<64x512xbf16>
    %dot_general3A_386 = arith.constant dense<0.000000e+00> : vector<1x512xf32>
    %dot_general3A_387 = tpu.matmul %convert_element_type3A_8, %convert_element_type3A_385, %dot_general3A_386 {dimension_numbers = #tpu.dot_dimension_numbers<[0], [0], [1], [1], [0, 1, 1, 1], [], []>, transpose_lhs_hint = false} : vector<64x1xbf16>, vector<64x512xbf16>, vector<1x512xf32> -> vector<1x512xf32>
    %add3A_388 = vector.broadcast %get3A_12 : f32 to vector<1x512xf32>
    %add3A_389 = arith.addf %dot_general3A_387, %add3A_388 : vector<1x512xf32>
    %convert_element_type3A_390 = arith.truncf %tanh3A_234 : vector<64x512xf32> to vector<64x512xbf16>
    %dot_general3A_391 = arith.constant dense<0.000000e+00> : vector<1x512xf32>
    %dot_general3A_392 = tpu.matmul %convert_element_type3A_8, %convert_element_type3A_390, %dot_general3A_391 {dimension_numbers = #tpu.dot_dimension_numbers<[0], [0], [1], [1], [0, 1, 1, 1], [], []>, transpose_lhs_hint = false} : vector<64x1xbf16>, vector<64x512xbf16>, vector<1x512xf32> -> vector<1x512xf32>
    %add3A_393 = vector.broadcast %get3A_12 : f32 to vector<1x512xf32>
    %add3A_394 = arith.addf %dot_general3A_392, %add3A_393 : vector<1x512xf32>
    %convert_element_type3A_395 = arith.truncf %tanh3A_239 : vector<64x512xf32> to vector<64x512xbf16>
    %dot_general3A_396 = arith.constant dense<0.000000e+00> : vector<1x512xf32>
    %dot_general3A_397 = tpu.matmul %convert_element_type3A_8, %convert_element_type3A_395, %dot_general3A_396 {dimension_numbers = #tpu.dot_dimension_numbers<[0], [0], [1], [1], [0, 1, 1, 1], [], []>, transpose_lhs_hint = false} : vector<64x1xbf16>, vector<64x512xbf16>, vector<1x512xf32> -> vector<1x512xf32>
    %add3A_398 = vector.broadcast %get3A_12 : f32 to vector<1x512xf32>
    %add3A_399 = arith.addf %dot_general3A_397, %add3A_398 : vector<1x512xf32>
    %convert_element_type3A_400 = arith.truncf %tanh3A_244 : vector<64x512xf32> to vector<64x512xbf16>
    %dot_general3A_401 = arith.constant dense<0.000000e+00> : vector<1x512xf32>
    %dot_general3A_402 = tpu.matmul %convert_element_type3A_8, %convert_element_type3A_400, %dot_general3A_401 {dimension_numbers = #tpu.dot_dimension_numbers<[0], [0], [1], [1], [0, 1, 1, 1], [], []>, transpose_lhs_hint = false} : vector<64x1xbf16>, vector<64x512xbf16>, vector<1x512xf32> -> vector<1x512xf32>
    %add3A_403 = vector.broadcast %get3A_12 : f32 to vector<1x512xf32>
    %add3A_404 = arith.addf %dot_general3A_402, %add3A_403 : vector<1x512xf32>
    %convert_element_type3A_405 = arith.truncf %tanh3A_249 : vector<64x512xf32> to vector<64x512xbf16>
    %dot_general3A_406 = arith.constant dense<0.000000e+00> : vector<1x512xf32>
    %dot_general3A_407 = tpu.matmul %convert_element_type3A_8, %convert_element_type3A_405, %dot_general3A_406 {dimension_numbers = #tpu.dot_dimension_numbers<[0], [0], [1], [1], [0, 1, 1, 1], [], []>, transpose_lhs_hint = false} : vector<64x1xbf16>, vector<64x512xbf16>, vector<1x512xf32> -> vector<1x512xf32>
    %add3A_408 = vector.broadcast %get3A_12 : f32 to vector<1x512xf32>
    %add3A_409 = arith.addf %dot_general3A_407, %add3A_408 : vector<1x512xf32>
    %convert_element_type3A_410 = arith.truncf %tanh3A_254 : vector<64x512xf32> to vector<64x512xbf16>
    %dot_general3A_411 = arith.constant dense<0.000000e+00> : vector<1x512xf32>
    %dot_general3A_412 = tpu.matmul %convert_element_type3A_8, %convert_element_type3A_410, %dot_general3A_411 {dimension_numbers = #tpu.dot_dimension_numbers<[0], [0], [1], [1], [0, 1, 1, 1], [], []>, transpose_lhs_hint = false} : vector<64x1xbf16>, vector<64x512xbf16>, vector<1x512xf32> -> vector<1x512xf32>
    %add3A_413 = vector.broadcast %get3A_12 : f32 to vector<1x512xf32>
    %add3A_414 = arith.addf %dot_general3A_412, %add3A_413 : vector<1x512xf32>
    %convert_element_type3A_415 = arith.truncf %tanh3A_259 : vector<64x512xf32> to vector<64x512xbf16>
    %dot_general3A_416 = arith.constant dense<0.000000e+00> : vector<1x512xf32>
    %dot_general3A_417 = tpu.matmul %convert_element_type3A_8, %convert_element_type3A_415, %dot_general3A_416 {dimension_numbers = #tpu.dot_dimension_numbers<[0], [0], [1], [1], [0, 1, 1, 1], [], []>, transpose_lhs_hint = false} : vector<64x1xbf16>, vector<64x512xbf16>, vector<1x512xf32> -> vector<1x512xf32>
    %add3A_418 = vector.broadcast %get3A_12 : f32 to vector<1x512xf32>
    %add3A_419 = arith.addf %dot_general3A_417, %add3A_418 : vector<1x512xf32>
    %convert_element_type3A_420 = arith.truncf %tanh3A_264 : vector<64x512xf32> to vector<64x512xbf16>
    %dot_general3A_421 = arith.constant dense<0.000000e+00> : vector<1x512xf32>
    %dot_general3A_422 = tpu.matmul %convert_element_type3A_8, %convert_element_type3A_420, %dot_general3A_421 {dimension_numbers = #tpu.dot_dimension_numbers<[0], [0], [1], [1], [0, 1, 1, 1], [], []>, transpose_lhs_hint = false} : vector<64x1xbf16>, vector<64x512xbf16>, vector<1x512xf32> -> vector<1x512xf32>
    %add3A_423 = vector.broadcast %get3A_12 : f32 to vector<1x512xf32>
    %add3A_424 = arith.addf %dot_general3A_422, %add3A_423 : vector<1x512xf32>
    %convert_element_type3A_425 = arith.truncf %tanh3A_269 : vector<64x512xf32> to vector<64x512xbf16>
    %dot_general3A_426 = arith.constant dense<0.000000e+00> : vector<1x512xf32>
    %dot_general3A_427 = tpu.matmul %convert_element_type3A_8, %convert_element_type3A_425, %dot_general3A_426 {dimension_numbers = #tpu.dot_dimension_numbers<[0], [0], [1], [1], [0, 1, 1, 1], [], []>, transpose_lhs_hint = false} : vector<64x1xbf16>, vector<64x512xbf16>, vector<1x512xf32> -> vector<1x512xf32>
    %add3A_428 = vector.broadcast %get3A_12 : f32 to vector<1x512xf32>
    %add3A_429 = arith.addf %dot_general3A_427, %add3A_428 : vector<1x512xf32>
    %convert_element_type3A_430 = arith.truncf %tanh3A_274 : vector<64x512xf32> to vector<64x512xbf16>
    %dot_general3A_431 = arith.constant dense<0.000000e+00> : vector<1x512xf32>
    %dot_general3A_432 = tpu.matmul %convert_element_type3A_8, %convert_element_type3A_430, %dot_general3A_431 {dimension_numbers = #tpu.dot_dimension_numbers<[0], [0], [1], [1], [0, 1, 1, 1], [], []>, transpose_lhs_hint = false} : vector<64x1xbf16>, vector<64x512xbf16>, vector<1x512xf32> -> vector<1x512xf32>
    %add3A_433 = vector.broadcast %get3A_12 : f32 to vector<1x512xf32>
    %add3A_434 = arith.addf %dot_general3A_432, %add3A_433 : vector<1x512xf32>
    %convert_element_type3A_435 = arith.truncf %tanh3A_279 : vector<64x512xf32> to vector<64x512xbf16>
    %dot_general3A_436 = arith.constant dense<0.000000e+00> : vector<1x512xf32>
    %dot_general3A_437 = tpu.matmul %convert_element_type3A_8, %convert_element_type3A_435, %dot_general3A_436 {dimension_numbers = #tpu.dot_dimension_numbers<[0], [0], [1], [1], [0, 1, 1, 1], [], []>, transpose_lhs_hint = false} : vector<64x1xbf16>, vector<64x512xbf16>, vector<1x512xf32> -> vector<1x512xf32>
    %add3A_438 = vector.broadcast %get3A_12 : f32 to vector<1x512xf32>
    %add3A_439 = arith.addf %dot_general3A_437, %add3A_438 : vector<1x512xf32>
    %convert_element_type3A_440 = arith.truncf %tanh3A_284 : vector<64x512xf32> to vector<64x512xbf16>
    %dot_general3A_441 = arith.constant dense<0.000000e+00> : vector<1x512xf32>
    %dot_general3A_442 = tpu.matmul %convert_element_type3A_8, %convert_element_type3A_440, %dot_general3A_441 {dimension_numbers = #tpu.dot_dimension_numbers<[0], [0], [1], [1], [0, 1, 1, 1], [], []>, transpose_lhs_hint = false} : vector<64x1xbf16>, vector<64x512xbf16>, vector<1x512xf32> -> vector<1x512xf32>
    %add3A_443 = vector.broadcast %get3A_12 : f32 to vector<1x512xf32>
    %add3A_444 = arith.addf %dot_general3A_442, %add3A_443 : vector<1x512xf32>
    %convert_element_type3A_445 = arith.truncf %tanh3A_289 : vector<64x512xf32> to vector<64x512xbf16>
    %dot_general3A_446 = arith.constant dense<0.000000e+00> : vector<1x512xf32>
    %dot_general3A_447 = tpu.matmul %convert_element_type3A_8, %convert_element_type3A_445, %dot_general3A_446 {dimension_numbers = #tpu.dot_dimension_numbers<[0], [0], [1], [1], [0, 1, 1, 1], [], []>, transpose_lhs_hint = false} : vector<64x1xbf16>, vector<64x512xbf16>, vector<1x512xf32> -> vector<1x512xf32>
    %add3A_448 = vector.broadcast %get3A_12 : f32 to vector<1x512xf32>
    %add3A_449 = arith.addf %dot_general3A_447, %add3A_448 : vector<1x512xf32>
    %convert_element_type3A_450 = arith.truncf %tanh3A_294 : vector<64x512xf32> to vector<64x512xbf16>
    %dot_general3A_451 = arith.constant dense<0.000000e+00> : vector<1x512xf32>
    %dot_general3A_452 = tpu.matmul %convert_element_type3A_8, %convert_element_type3A_450, %dot_general3A_451 {dimension_numbers = #tpu.dot_dimension_numbers<[0], [0], [1], [1], [0, 1, 1, 1], [], []>, transpose_lhs_hint = false} : vector<64x1xbf16>, vector<64x512xbf16>, vector<1x512xf32> -> vector<1x512xf32>
    %add3A_453 = vector.broadcast %get3A_12 : f32 to vector<1x512xf32>
    %add3A_454 = arith.addf %dot_general3A_452, %add3A_453 : vector<1x512xf32>
    %convert_element_type3A_455 = arith.truncf %tanh3A_299 : vector<64x512xf32> to vector<64x512xbf16>
    %dot_general3A_456 = arith.constant dense<0.000000e+00> : vector<1x512xf32>
    %dot_general3A_457 = tpu.matmul %convert_element_type3A_8, %convert_element_type3A_455, %dot_general3A_456 {dimension_numbers = #tpu.dot_dimension_numbers<[0], [0], [1], [1], [0, 1, 1, 1], [], []>, transpose_lhs_hint = false} : vector<64x1xbf16>, vector<64x512xbf16>, vector<1x512xf32> -> vector<1x512xf32>
    %add3A_458 = vector.broadcast %get3A_12 : f32 to vector<1x512xf32>
    %add3A_459 = arith.addf %dot_general3A_457, %add3A_458 : vector<1x512xf32>
    %convert_element_type3A_460 = arith.truncf %tanh3A_304 : vector<64x512xf32> to vector<64x512xbf16>
    %dot_general3A_461 = arith.constant dense<0.000000e+00> : vector<1x512xf32>
    %dot_general3A_462 = tpu.matmul %convert_element_type3A_8, %convert_element_type3A_460, %dot_general3A_461 {dimension_numbers = #tpu.dot_dimension_numbers<[0], [0], [1], [1], [0, 1, 1, 1], [], []>, transpose_lhs_hint = false} : vector<64x1xbf16>, vector<64x512xbf16>, vector<1x512xf32> -> vector<1x512xf32>
    %add3A_463 = vector.broadcast %get3A_12 : f32 to vector<1x512xf32>
    %add3A_464 = arith.addf %dot_general3A_462, %add3A_463 : vector<1x512xf32>
    %convert_element_type3A_465 = arith.truncf %tanh3A_309 : vector<64x512xf32> to vector<64x512xbf16>
    %dot_general3A_466 = arith.constant dense<0.000000e+00> : vector<1x512xf32>
    %dot_general3A_467 = tpu.matmul %convert_element_type3A_8, %convert_element_type3A_465, %dot_general3A_466 {dimension_numbers = #tpu.dot_dimension_numbers<[0], [0], [1], [1], [0, 1, 1, 1], [], []>, transpose_lhs_hint = false} : vector<64x1xbf16>, vector<64x512xbf16>, vector<1x512xf32> -> vector<1x512xf32>
    %add3A_468 = vector.broadcast %get3A_12 : f32 to vector<1x512xf32>
    %add3A_469 = arith.addf %dot_general3A_467, %add3A_468 : vector<1x512xf32>
    %convert_element_type3A_470 = arith.truncf %tanh3A_314 : vector<64x512xf32> to vector<64x512xbf16>
    %dot_general3A_471 = arith.constant dense<0.000000e+00> : vector<1x512xf32>
    %dot_general3A_472 = tpu.matmul %convert_element_type3A_8, %convert_element_type3A_470, %dot_general3A_471 {dimension_numbers = #tpu.dot_dimension_numbers<[0], [0], [1], [1], [0, 1, 1, 1], [], []>, transpose_lhs_hint = false} : vector<64x1xbf16>, vector<64x512xbf16>, vector<1x512xf32> -> vector<1x512xf32>
    %add3A_473 = vector.broadcast %get3A_12 : f32 to vector<1x512xf32>
    %add3A_474 = arith.addf %dot_general3A_472, %add3A_473 : vector<1x512xf32>
    %convert_element_type3A_475 = arith.truncf %tanh3A_319 : vector<64x512xf32> to vector<64x512xbf16>
    %dot_general3A_476 = arith.constant dense<0.000000e+00> : vector<1x512xf32>
    %dot_general3A_477 = tpu.matmul %convert_element_type3A_8, %convert_element_type3A_475, %dot_general3A_476 {dimension_numbers = #tpu.dot_dimension_numbers<[0], [0], [1], [1], [0, 1, 1, 1], [], []>, transpose_lhs_hint = false} : vector<64x1xbf16>, vector<64x512xbf16>, vector<1x512xf32> -> vector<1x512xf32>
    %add3A_478 = vector.broadcast %get3A_12 : f32 to vector<1x512xf32>
    %add3A_479 = arith.addf %dot_general3A_477, %add3A_478 : vector<1x512xf32>
    %convert_element_type3A_480 = arith.truncf %tanh3A_324 : vector<64x512xf32> to vector<64x512xbf16>
    %dot_general3A_481 = arith.constant dense<0.000000e+00> : vector<1x512xf32>
    %dot_general3A_482 = tpu.matmul %convert_element_type3A_8, %convert_element_type3A_480, %dot_general3A_481 {dimension_numbers = #tpu.dot_dimension_numbers<[0], [0], [1], [1], [0, 1, 1, 1], [], []>, transpose_lhs_hint = false} : vector<64x1xbf16>, vector<64x512xbf16>, vector<1x512xf32> -> vector<1x512xf32>
    %add3A_483 = vector.broadcast %get3A_12 : f32 to vector<1x512xf32>
    %add3A_484 = arith.addf %dot_general3A_482, %add3A_483 : vector<1x512xf32>
    %convert_element_type3A_485 = arith.truncf %tanh3A_329 : vector<64x512xf32> to vector<64x512xbf16>
    %dot_general3A_486 = arith.constant dense<0.000000e+00> : vector<1x512xf32>
    %dot_general3A_487 = tpu.matmul %convert_element_type3A_8, %convert_element_type3A_485, %dot_general3A_486 {dimension_numbers = #tpu.dot_dimension_numbers<[0], [0], [1], [1], [0, 1, 1, 1], [], []>, transpose_lhs_hint = false} : vector<64x1xbf16>, vector<64x512xbf16>, vector<1x512xf32> -> vector<1x512xf32>
    %add3A_488 = vector.broadcast %get3A_12 : f32 to vector<1x512xf32>
    %add3A_489 = arith.addf %dot_general3A_487, %add3A_488 : vector<1x512xf32>
    %convert_element_type3A_490 = arith.truncf %tanh3A_334 : vector<64x512xf32> to vector<64x512xbf16>
    %dot_general3A_491 = arith.constant dense<0.000000e+00> : vector<1x512xf32>
    %dot_general3A_492 = tpu.matmul %convert_element_type3A_8, %convert_element_type3A_490, %dot_general3A_491 {dimension_numbers = #tpu.dot_dimension_numbers<[0], [0], [1], [1], [0, 1, 1, 1], [], []>, transpose_lhs_hint = false} : vector<64x1xbf16>, vector<64x512xbf16>, vector<1x512xf32> -> vector<1x512xf32>
    %add3A_493 = vector.broadcast %get3A_12 : f32 to vector<1x512xf32>
    %add3A_494 = arith.addf %dot_general3A_492, %add3A_493 : vector<1x512xf32>
    %convert_element_type3A_495 = arith.truncf %tanh3A_339 : vector<64x512xf32> to vector<64x512xbf16>
    %dot_general3A_496 = arith.constant dense<0.000000e+00> : vector<1x512xf32>
    %dot_general3A_497 = tpu.matmul %convert_element_type3A_8, %convert_element_type3A_495, %dot_general3A_496 {dimension_numbers = #tpu.dot_dimension_numbers<[0], [0], [1], [1], [0, 1, 1, 1], [], []>, transpose_lhs_hint = false} : vector<64x1xbf16>, vector<64x512xbf16>, vector<1x512xf32> -> vector<1x512xf32>
    %add3A_498 = vector.broadcast %get3A_12 : f32 to vector<1x512xf32>
    %add3A_499 = arith.addf %dot_general3A_497, %add3A_498 : vector<1x512xf32>
    %convert_element_type3A_500 = arith.truncf %tanh3A_344 : vector<64x512xf32> to vector<64x512xbf16>
    %dot_general3A_501 = arith.constant dense<0.000000e+00> : vector<1x512xf32>
    %dot_general3A_502 = tpu.matmul %convert_element_type3A_8, %convert_element_type3A_500, %dot_general3A_501 {dimension_numbers = #tpu.dot_dimension_numbers<[0], [0], [1], [1], [0, 1, 1, 1], [], []>, transpose_lhs_hint = false} : vector<64x1xbf16>, vector<64x512xbf16>, vector<1x512xf32> -> vector<1x512xf32>
    %add3A_503 = vector.broadcast %get3A_12 : f32 to vector<1x512xf32>
    %add3A_504 = arith.addf %dot_general3A_502, %add3A_503 : vector<1x512xf32>
    %convert_element_type3A_505 = arith.truncf %tanh3A_349 : vector<64x512xf32> to vector<64x512xbf16>
    %dot_general3A_506 = arith.constant dense<0.000000e+00> : vector<1x512xf32>
    %dot_general3A_507 = tpu.matmul %convert_element_type3A_8, %convert_element_type3A_505, %dot_general3A_506 {dimension_numbers = #tpu.dot_dimension_numbers<[0], [0], [1], [1], [0, 1, 1, 1], [], []>, transpose_lhs_hint = false} : vector<64x1xbf16>, vector<64x512xbf16>, vector<1x512xf32> -> vector<1x512xf32>
    %add3A_508 = vector.broadcast %get3A_12 : f32 to vector<1x512xf32>
    %add3A_509 = arith.addf %dot_general3A_507, %add3A_508 : vector<1x512xf32>
    %convert_element_type3A_510 = arith.truncf %tanh3A_354 : vector<64x512xf32> to vector<64x512xbf16>
    %dot_general3A_511 = arith.constant dense<0.000000e+00> : vector<1x512xf32>
    %dot_general3A_512 = tpu.matmul %convert_element_type3A_8, %convert_element_type3A_510, %dot_general3A_511 {dimension_numbers = #tpu.dot_dimension_numbers<[0], [0], [1], [1], [0, 1, 1, 1], [], []>, transpose_lhs_hint = false} : vector<64x1xbf16>, vector<64x512xbf16>, vector<1x512xf32> -> vector<1x512xf32>
    %add3A_513 = vector.broadcast %get3A_12 : f32 to vector<1x512xf32>
    %add3A_514 = arith.addf %dot_general3A_512, %add3A_513 : vector<1x512xf32>
    %convert_element_type3A_515 = arith.truncf %tanh3A_359 : vector<64x512xf32> to vector<64x512xbf16>
    %dot_general3A_516 = arith.constant dense<0.000000e+00> : vector<1x512xf32>
    %dot_general3A_517 = tpu.matmul %convert_element_type3A_8, %convert_element_type3A_515, %dot_general3A_516 {dimension_numbers = #tpu.dot_dimension_numbers<[0], [0], [1], [1], [0, 1, 1, 1], [], []>, transpose_lhs_hint = false} : vector<64x1xbf16>, vector<64x512xbf16>, vector<1x512xf32> -> vector<1x512xf32>
    %add3A_518 = vector.broadcast %get3A_12 : f32 to vector<1x512xf32>
    %add3A_519 = arith.addf %dot_general3A_517, %add3A_518 : vector<1x512xf32>
    %convert_element_type3A_520 = arith.truncf %tanh3A_364 : vector<64x512xf32> to vector<64x512xbf16>
    %dot_general3A_521 = arith.constant dense<0.000000e+00> : vector<1x512xf32>
    %dot_general3A_522 = tpu.matmul %convert_element_type3A_8, %convert_element_type3A_520, %dot_general3A_521 {dimension_numbers = #tpu.dot_dimension_numbers<[0], [0], [1], [1], [0, 1, 1, 1], [], []>, transpose_lhs_hint = false} : vector<64x1xbf16>, vector<64x512xbf16>, vector<1x512xf32> -> vector<1x512xf32>
    %add3A_523 = vector.broadcast %get3A_12 : f32 to vector<1x512xf32>
    %add3A_524 = arith.addf %dot_general3A_522, %add3A_523 : vector<1x512xf32>
    %convert_element_type3A_525 = arith.truncf %tanh3A_369 : vector<64x512xf32> to vector<64x512xbf16>
    %dot_general3A_526 = arith.constant dense<0.000000e+00> : vector<1x512xf32>
    %dot_general3A_527 = tpu.matmul %convert_element_type3A_8, %convert_element_type3A_525, %dot_general3A_526 {dimension_numbers = #tpu.dot_dimension_numbers<[0], [0], [1], [1], [0, 1, 1, 1], [], []>, transpose_lhs_hint = false} : vector<64x1xbf16>, vector<64x512xbf16>, vector<1x512xf32> -> vector<1x512xf32>
    %add3A_528 = vector.broadcast %get3A_12 : f32 to vector<1x512xf32>
    %add3A_529 = arith.addf %dot_general3A_527, %add3A_528 : vector<1x512xf32>
    %dot_general3A_530 = arith.constant dense<0.000000e+00> : vector<16x512xf32>
    %dot_general3A_531 = tpu.matmul %convert_element_type3A_20, %convert_element_type3A_181, %dot_general3A_530 {dimension_numbers = #tpu.dot_dimension_numbers<[0], [0], [1], [1], [0, 1, 1, 1], [], []>, transpose_lhs_hint = false} : vector<64x16xbf16>, vector<64x512xbf16>, vector<16x512xf32> -> vector<16x512xf32>
    %reshape3A = vector.shape_cast %dot_general3A_531 : vector<16x512xf32> to vector<1x16x512xf32>
    %dot_general3A_532 = arith.constant dense<0.000000e+00> : vector<16x512xf32>
    %dot_general3A_533 = tpu.matmul %convert_element_type3A_20, %convert_element_type3A_182, %dot_general3A_532 {dimension_numbers = #tpu.dot_dimension_numbers<[0], [0], [1], [1], [0, 1, 1, 1], [], []>, transpose_lhs_hint = false} : vector<64x16xbf16>, vector<64x512xbf16>, vector<16x512xf32> -> vector<16x512xf32>
    %reshape3A_534 = vector.shape_cast %dot_general3A_533 : vector<16x512xf32> to vector<1x16x512xf32>
    %dot_general3A_535 = arith.constant dense<0.000000e+00> : vector<16x512xf32>
    %dot_general3A_536 = tpu.matmul %convert_element_type3A_20, %convert_element_type3A_183, %dot_general3A_535 {dimension_numbers = #tpu.dot_dimension_numbers<[0], [0], [1], [1], [0, 1, 1, 1], [], []>, transpose_lhs_hint = false} : vector<64x16xbf16>, vector<64x512xbf16>, vector<16x512xf32> -> vector<16x512xf32>
    %reshape3A_537 = vector.shape_cast %dot_general3A_536 : vector<16x512xf32> to vector<1x16x512xf32>
    %dot_general3A_538 = arith.constant dense<0.000000e+00> : vector<16x512xf32>
    %dot_general3A_539 = tpu.matmul %convert_element_type3A_20, %convert_element_type3A_184, %dot_general3A_538 {dimension_numbers = #tpu.dot_dimension_numbers<[0], [0], [1], [1], [0, 1, 1, 1], [], []>, transpose_lhs_hint = false} : vector<64x16xbf16>, vector<64x512xbf16>, vector<16x512xf32> -> vector<16x512xf32>
    %reshape3A_540 = vector.shape_cast %dot_general3A_539 : vector<16x512xf32> to vector<1x16x512xf32>
    %dot_general3A_541 = arith.constant dense<0.000000e+00> : vector<16x512xf32>
    %dot_general3A_542 = tpu.matmul %convert_element_type3A_20, %convert_element_type3A_185, %dot_general3A_541 {dimension_numbers = #tpu.dot_dimension_numbers<[0], [0], [1], [1], [0, 1, 1, 1], [], []>, transpose_lhs_hint = false} : vector<64x16xbf16>, vector<64x512xbf16>, vector<16x512xf32> -> vector<16x512xf32>
    %reshape3A_543 = vector.shape_cast %dot_general3A_542 : vector<16x512xf32> to vector<1x16x512xf32>
    %dot_general3A_544 = arith.constant dense<0.000000e+00> : vector<16x512xf32>
    %dot_general3A_545 = tpu.matmul %convert_element_type3A_20, %convert_element_type3A_186, %dot_general3A_544 {dimension_numbers = #tpu.dot_dimension_numbers<[0], [0], [1], [1], [0, 1, 1, 1], [], []>, transpose_lhs_hint = false} : vector<64x16xbf16>, vector<64x512xbf16>, vector<16x512xf32> -> vector<16x512xf32>
    %reshape3A_546 = vector.shape_cast %dot_general3A_545 : vector<16x512xf32> to vector<1x16x512xf32>
    %dot_general3A_547 = arith.constant dense<0.000000e+00> : vector<16x512xf32>
    %dot_general3A_548 = tpu.matmul %convert_element_type3A_20, %convert_element_type3A_187, %dot_general3A_547 {dimension_numbers = #tpu.dot_dimension_numbers<[0], [0], [1], [1], [0, 1, 1, 1], [], []>, transpose_lhs_hint = false} : vector<64x16xbf16>, vector<64x512xbf16>, vector<16x512xf32> -> vector<16x512xf32>
    %reshape3A_549 = vector.shape_cast %dot_general3A_548 : vector<16x512xf32> to vector<1x16x512xf32>
    %dot_general3A_550 = arith.constant dense<0.000000e+00> : vector<16x512xf32>
    %dot_general3A_551 = tpu.matmul %convert_element_type3A_20, %convert_element_type3A_188, %dot_general3A_550 {dimension_numbers = #tpu.dot_dimension_numbers<[0], [0], [1], [1], [0, 1, 1, 1], [], []>, transpose_lhs_hint = false} : vector<64x16xbf16>, vector<64x512xbf16>, vector<16x512xf32> -> vector<16x512xf32>
    %reshape3A_552 = vector.shape_cast %dot_general3A_551 : vector<16x512xf32> to vector<1x16x512xf32>
    %dot_general3A_553 = arith.constant dense<0.000000e+00> : vector<16x512xf32>
    %dot_general3A_554 = tpu.matmul %convert_element_type3A_20, %convert_element_type3A_189, %dot_general3A_553 {dimension_numbers = #tpu.dot_dimension_numbers<[0], [0], [1], [1], [0, 1, 1, 1], [], []>, transpose_lhs_hint = false} : vector<64x16xbf16>, vector<64x512xbf16>, vector<16x512xf32> -> vector<16x512xf32>
    %reshape3A_555 = vector.shape_cast %dot_general3A_554 : vector<16x512xf32> to vector<1x16x512xf32>
    %dot_general3A_556 = arith.constant dense<0.000000e+00> : vector<16x512xf32>
    %dot_general3A_557 = tpu.matmul %convert_element_type3A_20, %convert_element_type3A_190, %dot_general3A_556 {dimension_numbers = #tpu.dot_dimension_numbers<[0], [0], [1], [1], [0, 1, 1, 1], [], []>, transpose_lhs_hint = false} : vector<64x16xbf16>, vector<64x512xbf16>, vector<16x512xf32> -> vector<16x512xf32>
    %reshape3A_558 = vector.shape_cast %dot_general3A_557 : vector<16x512xf32> to vector<1x16x512xf32>
    %dot_general3A_559 = arith.constant dense<0.000000e+00> : vector<16x512xf32>
    %dot_general3A_560 = tpu.matmul %convert_element_type3A_20, %convert_element_type3A_191, %dot_general3A_559 {dimension_numbers = #tpu.dot_dimension_numbers<[0], [0], [1], [1], [0, 1, 1, 1], [], []>, transpose_lhs_hint = false} : vector<64x16xbf16>, vector<64x512xbf16>, vector<16x512xf32> -> vector<16x512xf32>
    %reshape3A_561 = vector.shape_cast %dot_general3A_560 : vector<16x512xf32> to vector<1x16x512xf32>
    %dot_general3A_562 = arith.constant dense<0.000000e+00> : vector<16x512xf32>
    %dot_general3A_563 = tpu.matmul %convert_element_type3A_20, %convert_element_type3A_192, %dot_general3A_562 {dimension_numbers = #tpu.dot_dimension_numbers<[0], [0], [1], [1], [0, 1, 1, 1], [], []>, transpose_lhs_hint = false} : vector<64x16xbf16>, vector<64x512xbf16>, vector<16x512xf32> -> vector<16x512xf32>
    %reshape3A_564 = vector.shape_cast %dot_general3A_563 : vector<16x512xf32> to vector<1x16x512xf32>
    %dot_general3A_565 = arith.constant dense<0.000000e+00> : vector<16x512xf32>
    %dot_general3A_566 = tpu.matmul %convert_element_type3A_20, %convert_element_type3A_193, %dot_general3A_565 {dimension_numbers = #tpu.dot_dimension_numbers<[0], [0], [1], [1], [0, 1, 1, 1], [], []>, transpose_lhs_hint = false} : vector<64x16xbf16>, vector<64x512xbf16>, vector<16x512xf32> -> vector<16x512xf32>
    %reshape3A_567 = vector.shape_cast %dot_general3A_566 : vector<16x512xf32> to vector<1x16x512xf32>
    %dot_general3A_568 = arith.constant dense<0.000000e+00> : vector<16x512xf32>
    %dot_general3A_569 = tpu.matmul %convert_element_type3A_20, %convert_element_type3A_194, %dot_general3A_568 {dimension_numbers = #tpu.dot_dimension_numbers<[0], [0], [1], [1], [0, 1, 1, 1], [], []>, transpose_lhs_hint = false} : vector<64x16xbf16>, vector<64x512xbf16>, vector<16x512xf32> -> vector<16x512xf32>
    %reshape3A_570 = vector.shape_cast %dot_general3A_569 : vector<16x512xf32> to vector<1x16x512xf32>
    %dot_general3A_571 = arith.constant dense<0.000000e+00> : vector<16x512xf32>
    %dot_general3A_572 = tpu.matmul %convert_element_type3A_20, %convert_element_type3A_195, %dot_general3A_571 {dimension_numbers = #tpu.dot_dimension_numbers<[0], [0], [1], [1], [0, 1, 1, 1], [], []>, transpose_lhs_hint = false} : vector<64x16xbf16>, vector<64x512xbf16>, vector<16x512xf32> -> vector<16x512xf32>
    %reshape3A_573 = vector.shape_cast %dot_general3A_572 : vector<16x512xf32> to vector<1x16x512xf32>
    %dot_general3A_574 = arith.constant dense<0.000000e+00> : vector<16x512xf32>
    %dot_general3A_575 = tpu.matmul %convert_element_type3A_20, %convert_element_type3A_196, %dot_general3A_574 {dimension_numbers = #tpu.dot_dimension_numbers<[0], [0], [1], [1], [0, 1, 1, 1], [], []>, transpose_lhs_hint = false} : vector<64x16xbf16>, vector<64x512xbf16>, vector<16x512xf32> -> vector<16x512xf32>
    %reshape3A_576 = vector.shape_cast %dot_general3A_575 : vector<16x512xf32> to vector<1x16x512xf32>
    %dot_general3A_577 = arith.constant dense<0.000000e+00> : vector<16x512xf32>
    %dot_general3A_578 = tpu.matmul %convert_element_type3A_20, %convert_element_type3A_197, %dot_general3A_577 {dimension_numbers = #tpu.dot_dimension_numbers<[0], [0], [1], [1], [0, 1, 1, 1], [], []>, transpose_lhs_hint = false} : vector<64x16xbf16>, vector<64x512xbf16>, vector<16x512xf32> -> vector<16x512xf32>
    %reshape3A_579 = vector.shape_cast %dot_general3A_578 : vector<16x512xf32> to vector<1x16x512xf32>
    %dot_general3A_580 = arith.constant dense<0.000000e+00> : vector<16x512xf32>
    %dot_general3A_581 = tpu.matmul %convert_element_type3A_20, %convert_element_type3A_198, %dot_general3A_580 {dimension_numbers = #tpu.dot_dimension_numbers<[0], [0], [1], [1], [0, 1, 1, 1], [], []>, transpose_lhs_hint = false} : vector<64x16xbf16>, vector<64x512xbf16>, vector<16x512xf32> -> vector<16x512xf32>
    %reshape3A_582 = vector.shape_cast %dot_general3A_581 : vector<16x512xf32> to vector<1x16x512xf32>
    %dot_general3A_583 = arith.constant dense<0.000000e+00> : vector<16x512xf32>
    %dot_general3A_584 = tpu.matmul %convert_element_type3A_20, %convert_element_type3A_199, %dot_general3A_583 {dimension_numbers = #tpu.dot_dimension_numbers<[0], [0], [1], [1], [0, 1, 1, 1], [], []>, transpose_lhs_hint = false} : vector<64x16xbf16>, vector<64x512xbf16>, vector<16x512xf32> -> vector<16x512xf32>
    %reshape3A_585 = vector.shape_cast %dot_general3A_584 : vector<16x512xf32> to vector<1x16x512xf32>
    %dot_general3A_586 = arith.constant dense<0.000000e+00> : vector<16x512xf32>
    %dot_general3A_587 = tpu.matmul %convert_element_type3A_20, %convert_element_type3A_200, %dot_general3A_586 {dimension_numbers = #tpu.dot_dimension_numbers<[0], [0], [1], [1], [0, 1, 1, 1], [], []>, transpose_lhs_hint = false} : vector<64x16xbf16>, vector<64x512xbf16>, vector<16x512xf32> -> vector<16x512xf32>
    %reshape3A_588 = vector.shape_cast %dot_general3A_587 : vector<16x512xf32> to vector<1x16x512xf32>
    %dot_general3A_589 = arith.constant dense<0.000000e+00> : vector<16x512xf32>
    %dot_general3A_590 = tpu.matmul %convert_element_type3A_20, %convert_element_type3A_201, %dot_general3A_589 {dimension_numbers = #tpu.dot_dimension_numbers<[0], [0], [1], [1], [0, 1, 1, 1], [], []>, transpose_lhs_hint = false} : vector<64x16xbf16>, vector<64x512xbf16>, vector<16x512xf32> -> vector<16x512xf32>
    %reshape3A_591 = vector.shape_cast %dot_general3A_590 : vector<16x512xf32> to vector<1x16x512xf32>
    %dot_general3A_592 = arith.constant dense<0.000000e+00> : vector<16x512xf32>
    %dot_general3A_593 = tpu.matmul %convert_element_type3A_20, %convert_element_type3A_202, %dot_general3A_592 {dimension_numbers = #tpu.dot_dimension_numbers<[0], [0], [1], [1], [0, 1, 1, 1], [], []>, transpose_lhs_hint = false} : vector<64x16xbf16>, vector<64x512xbf16>, vector<16x512xf32> -> vector<16x512xf32>
    %reshape3A_594 = vector.shape_cast %dot_general3A_593 : vector<16x512xf32> to vector<1x16x512xf32>
    %dot_general3A_595 = arith.constant dense<0.000000e+00> : vector<16x512xf32>
    %dot_general3A_596 = tpu.matmul %convert_element_type3A_20, %convert_element_type3A_203, %dot_general3A_595 {dimension_numbers = #tpu.dot_dimension_numbers<[0], [0], [1], [1], [0, 1, 1, 1], [], []>, transpose_lhs_hint = false} : vector<64x16xbf16>, vector<64x512xbf16>, vector<16x512xf32> -> vector<16x512xf32>
    %reshape3A_597 = vector.shape_cast %dot_general3A_596 : vector<16x512xf32> to vector<1x16x512xf32>
    %dot_general3A_598 = arith.constant dense<0.000000e+00> : vector<16x512xf32>
    %dot_general3A_599 = tpu.matmul %convert_element_type3A_20, %convert_element_type3A_204, %dot_general3A_598 {dimension_numbers = #tpu.dot_dimension_numbers<[0], [0], [1], [1], [0, 1, 1, 1], [], []>, transpose_lhs_hint = false} : vector<64x16xbf16>, vector<64x512xbf16>, vector<16x512xf32> -> vector<16x512xf32>
    %reshape3A_600 = vector.shape_cast %dot_general3A_599 : vector<16x512xf32> to vector<1x16x512xf32>
    %dot_general3A_601 = arith.constant dense<0.000000e+00> : vector<16x512xf32>
    %dot_general3A_602 = tpu.matmul %convert_element_type3A_20, %convert_element_type3A_205, %dot_general3A_601 {dimension_numbers = #tpu.dot_dimension_numbers<[0], [0], [1], [1], [0, 1, 1, 1], [], []>, transpose_lhs_hint = false} : vector<64x16xbf16>, vector<64x512xbf16>, vector<16x512xf32> -> vector<16x512xf32>
    %reshape3A_603 = vector.shape_cast %dot_general3A_602 : vector<16x512xf32> to vector<1x16x512xf32>
    %dot_general3A_604 = arith.constant dense<0.000000e+00> : vector<16x512xf32>
    %dot_general3A_605 = tpu.matmul %convert_element_type3A_20, %convert_element_type3A_206, %dot_general3A_604 {dimension_numbers = #tpu.dot_dimension_numbers<[0], [0], [1], [1], [0, 1, 1, 1], [], []>, transpose_lhs_hint = false} : vector<64x16xbf16>, vector<64x512xbf16>, vector<16x512xf32> -> vector<16x512xf32>
    %reshape3A_606 = vector.shape_cast %dot_general3A_605 : vector<16x512xf32> to vector<1x16x512xf32>
    %dot_general3A_607 = arith.constant dense<0.000000e+00> : vector<16x512xf32>
    %dot_general3A_608 = tpu.matmul %convert_element_type3A_20, %convert_element_type3A_207, %dot_general3A_607 {dimension_numbers = #tpu.dot_dimension_numbers<[0], [0], [1], [1], [0, 1, 1, 1], [], []>, transpose_lhs_hint = false} : vector<64x16xbf16>, vector<64x512xbf16>, vector<16x512xf32> -> vector<16x512xf32>
    %reshape3A_609 = vector.shape_cast %dot_general3A_608 : vector<16x512xf32> to vector<1x16x512xf32>
    %dot_general3A_610 = arith.constant dense<0.000000e+00> : vector<16x512xf32>
    %dot_general3A_611 = tpu.matmul %convert_element_type3A_20, %convert_element_type3A_208, %dot_general3A_610 {dimension_numbers = #tpu.dot_dimension_numbers<[0], [0], [1], [1], [0, 1, 1, 1], [], []>, transpose_lhs_hint = false} : vector<64x16xbf16>, vector<64x512xbf16>, vector<16x512xf32> -> vector<16x512xf32>
    %reshape3A_612 = vector.shape_cast %dot_general3A_611 : vector<16x512xf32> to vector<1x16x512xf32>
    %dot_general3A_613 = arith.constant dense<0.000000e+00> : vector<16x512xf32>
    %dot_general3A_614 = tpu.matmul %convert_element_type3A_20, %convert_element_type3A_209, %dot_general3A_613 {dimension_numbers = #tpu.dot_dimension_numbers<[0], [0], [1], [1], [0, 1, 1, 1], [], []>, transpose_lhs_hint = false} : vector<64x16xbf16>, vector<64x512xbf16>, vector<16x512xf32> -> vector<16x512xf32>
    %reshape3A_615 = vector.shape_cast %dot_general3A_614 : vector<16x512xf32> to vector<1x16x512xf32>
    %dot_general3A_616 = arith.constant dense<0.000000e+00> : vector<16x512xf32>
    %dot_general3A_617 = tpu.matmul %convert_element_type3A_20, %convert_element_type3A_210, %dot_general3A_616 {dimension_numbers = #tpu.dot_dimension_numbers<[0], [0], [1], [1], [0, 1, 1, 1], [], []>, transpose_lhs_hint = false} : vector<64x16xbf16>, vector<64x512xbf16>, vector<16x512xf32> -> vector<16x512xf32>
    %reshape3A_618 = vector.shape_cast %dot_general3A_617 : vector<16x512xf32> to vector<1x16x512xf32>
    %dot_general3A_619 = arith.constant dense<0.000000e+00> : vector<16x512xf32>
    %dot_general3A_620 = tpu.matmul %convert_element_type3A_20, %convert_element_type3A_211, %dot_general3A_619 {dimension_numbers = #tpu.dot_dimension_numbers<[0], [0], [1], [1], [0, 1, 1, 1], [], []>, transpose_lhs_hint = false} : vector<64x16xbf16>, vector<64x512xbf16>, vector<16x512xf32> -> vector<16x512xf32>
    %reshape3A_621 = vector.shape_cast %dot_general3A_620 : vector<16x512xf32> to vector<1x16x512xf32>
    %dot_general3A_622 = arith.constant dense<0.000000e+00> : vector<16x512xf32>
    %dot_general3A_623 = tpu.matmul %convert_element_type3A_20, %convert_element_type3A_212, %dot_general3A_622 {dimension_numbers = #tpu.dot_dimension_numbers<[0], [0], [1], [1], [0, 1, 1, 1], [], []>, transpose_lhs_hint = false} : vector<64x16xbf16>, vector<64x512xbf16>, vector<16x512xf32> -> vector<16x512xf32>
    %reshape3A_624 = vector.shape_cast %dot_general3A_623 : vector<16x512xf32> to vector<1x16x512xf32>
    %reduce_sum3A = arith.constant dense<0.000000e+00> : vector<64xf32>
    %reduce_sum3A_625 = vector.multi_reduction <add>, %get3A_25, %reduce_sum3A [1] : vector<64x512xf32> to vector<64xf32>
    %broadcast_in_dim3A = vector.shape_cast %reduce_sum3A_625 : vector<64xf32> to vector<64x1xf32>
    %reduce_sum3A_626 = arith.constant dense<0.000000e+00> : vector<64xf32>
    %reduce_sum3A_627 = vector.multi_reduction <add>, %get3A_30, %reduce_sum3A_626 [1] : vector<64x512xf32> to vector<64xf32>
    %broadcast_in_dim3A_628 = vector.shape_cast %reduce_sum3A_627 : vector<64xf32> to vector<64x1xf32>
    %reduce_sum3A_629 = arith.constant dense<0.000000e+00> : vector<64xf32>
    %reduce_sum3A_630 = vector.multi_reduction <add>, %get3A_35, %reduce_sum3A_629 [1] : vector<64x512xf32> to vector<64xf32>
    %broadcast_in_dim3A_631 = vector.shape_cast %reduce_sum3A_630 : vector<64xf32> to vector<64x1xf32>
    %reduce_sum3A_632 = arith.constant dense<0.000000e+00> : vector<64xf32>
    %reduce_sum3A_633 = vector.multi_reduction <add>, %get3A_40, %reduce_sum3A_632 [1] : vector<64x512xf32> to vector<64xf32>
    %broadcast_in_dim3A_634 = vector.shape_cast %reduce_sum3A_633 : vector<64xf32> to vector<64x1xf32>
    %reduce_sum3A_635 = arith.constant dense<0.000000e+00> : vector<64xf32>
    %reduce_sum3A_636 = vector.multi_reduction <add>, %get3A_45, %reduce_sum3A_635 [1] : vector<64x512xf32> to vector<64xf32>
    %broadcast_in_dim3A_637 = vector.shape_cast %reduce_sum3A_636 : vector<64xf32> to vector<64x1xf32>
    %reduce_sum3A_638 = arith.constant dense<0.000000e+00> : vector<64xf32>
    %reduce_sum3A_639 = vector.multi_reduction <add>, %get3A_50, %reduce_sum3A_638 [1] : vector<64x512xf32> to vector<64xf32>
    %broadcast_in_dim3A_640 = vector.shape_cast %reduce_sum3A_639 : vector<64xf32> to vector<64x1xf32>
    %reduce_sum3A_641 = arith.constant dense<0.000000e+00> : vector<64xf32>
    %reduce_sum3A_642 = vector.multi_reduction <add>, %get3A_55, %reduce_sum3A_641 [1] : vector<64x512xf32> to vector<64xf32>
    %broadcast_in_dim3A_643 = vector.shape_cast %reduce_sum3A_642 : vector<64xf32> to vector<64x1xf32>
    %reduce_sum3A_644 = arith.constant dense<0.000000e+00> : vector<64xf32>
    %reduce_sum3A_645 = vector.multi_reduction <add>, %get3A_60, %reduce_sum3A_644 [1] : vector<64x512xf32> to vector<64xf32>
    %broadcast_in_dim3A_646 = vector.shape_cast %reduce_sum3A_645 : vector<64xf32> to vector<64x1xf32>
    %reduce_sum3A_647 = arith.constant dense<0.000000e+00> : vector<64xf32>
    %reduce_sum3A_648 = vector.multi_reduction <add>, %get3A_65, %reduce_sum3A_647 [1] : vector<64x512xf32> to vector<64xf32>
    %broadcast_in_dim3A_649 = vector.shape_cast %reduce_sum3A_648 : vector<64xf32> to vector<64x1xf32>
    %reduce_sum3A_650 = arith.constant dense<0.000000e+00> : vector<64xf32>
    %reduce_sum3A_651 = vector.multi_reduction <add>, %get3A_70, %reduce_sum3A_650 [1] : vector<64x512xf32> to vector<64xf32>
    %broadcast_in_dim3A_652 = vector.shape_cast %reduce_sum3A_651 : vector<64xf32> to vector<64x1xf32>
    %reduce_sum3A_653 = arith.constant dense<0.000000e+00> : vector<64xf32>
    %reduce_sum3A_654 = vector.multi_reduction <add>, %get3A_75, %reduce_sum3A_653 [1] : vector<64x512xf32> to vector<64xf32>
    %broadcast_in_dim3A_655 = vector.shape_cast %reduce_sum3A_654 : vector<64xf32> to vector<64x1xf32>
    %reduce_sum3A_656 = arith.constant dense<0.000000e+00> : vector<64xf32>
    %reduce_sum3A_657 = vector.multi_reduction <add>, %get3A_80, %reduce_sum3A_656 [1] : vector<64x512xf32> to vector<64xf32>
    %broadcast_in_dim3A_658 = vector.shape_cast %reduce_sum3A_657 : vector<64xf32> to vector<64x1xf32>
    %reduce_sum3A_659 = arith.constant dense<0.000000e+00> : vector<64xf32>
    %reduce_sum3A_660 = vector.multi_reduction <add>, %get3A_85, %reduce_sum3A_659 [1] : vector<64x512xf32> to vector<64xf32>
    %broadcast_in_dim3A_661 = vector.shape_cast %reduce_sum3A_660 : vector<64xf32> to vector<64x1xf32>
    %reduce_sum3A_662 = arith.constant dense<0.000000e+00> : vector<64xf32>
    %reduce_sum3A_663 = vector.multi_reduction <add>, %get3A_90, %reduce_sum3A_662 [1] : vector<64x512xf32> to vector<64xf32>
    %broadcast_in_dim3A_664 = vector.shape_cast %reduce_sum3A_663 : vector<64xf32> to vector<64x1xf32>
    %reduce_sum3A_665 = arith.constant dense<0.000000e+00> : vector<64xf32>
    %reduce_sum3A_666 = vector.multi_reduction <add>, %get3A_95, %reduce_sum3A_665 [1] : vector<64x512xf32> to vector<64xf32>
    %broadcast_in_dim3A_667 = vector.shape_cast %reduce_sum3A_666 : vector<64xf32> to vector<64x1xf32>
    %reduce_sum3A_668 = arith.constant dense<0.000000e+00> : vector<64xf32>
    %reduce_sum3A_669 = vector.multi_reduction <add>, %get3A_100, %reduce_sum3A_668 [1] : vector<64x512xf32> to vector<64xf32>
    %broadcast_in_dim3A_670 = vector.shape_cast %reduce_sum3A_669 : vector<64xf32> to vector<64x1xf32>
    %reduce_sum3A_671 = arith.constant dense<0.000000e+00> : vector<64xf32>
    %reduce_sum3A_672 = vector.multi_reduction <add>, %get3A_105, %reduce_sum3A_671 [1] : vector<64x512xf32> to vector<64xf32>
    %broadcast_in_dim3A_673 = vector.shape_cast %reduce_sum3A_672 : vector<64xf32> to vector<64x1xf32>
    %reduce_sum3A_674 = arith.constant dense<0.000000e+00> : vector<64xf32>
    %reduce_sum3A_675 = vector.multi_reduction <add>, %get3A_110, %reduce_sum3A_674 [1] : vector<64x512xf32> to vector<64xf32>
    %broadcast_in_dim3A_676 = vector.shape_cast %reduce_sum3A_675 : vector<64xf32> to vector<64x1xf32>
    %reduce_sum3A_677 = arith.constant dense<0.000000e+00> : vector<64xf32>
    %reduce_sum3A_678 = vector.multi_reduction <add>, %get3A_115, %reduce_sum3A_677 [1] : vector<64x512xf32> to vector<64xf32>
    %broadcast_in_dim3A_679 = vector.shape_cast %reduce_sum3A_678 : vector<64xf32> to vector<64x1xf32>
    %reduce_sum3A_680 = arith.constant dense<0.000000e+00> : vector<64xf32>
    %reduce_sum3A_681 = vector.multi_reduction <add>, %get3A_120, %reduce_sum3A_680 [1] : vector<64x512xf32> to vector<64xf32>
    %broadcast_in_dim3A_682 = vector.shape_cast %reduce_sum3A_681 : vector<64xf32> to vector<64x1xf32>
    %reduce_sum3A_683 = arith.constant dense<0.000000e+00> : vector<64xf32>
    %reduce_sum3A_684 = vector.multi_reduction <add>, %get3A_125, %reduce_sum3A_683 [1] : vector<64x512xf32> to vector<64xf32>
    %broadcast_in_dim3A_685 = vector.shape_cast %reduce_sum3A_684 : vector<64xf32> to vector<64x1xf32>
    %reduce_sum3A_686 = arith.constant dense<0.000000e+00> : vector<64xf32>
    %reduce_sum3A_687 = vector.multi_reduction <add>, %get3A_130, %reduce_sum3A_686 [1] : vector<64x512xf32> to vector<64xf32>
    %broadcast_in_dim3A_688 = vector.shape_cast %reduce_sum3A_687 : vector<64xf32> to vector<64x1xf32>
    %reduce_sum3A_689 = arith.constant dense<0.000000e+00> : vector<64xf32>
    %reduce_sum3A_690 = vector.multi_reduction <add>, %get3A_135, %reduce_sum3A_689 [1] : vector<64x512xf32> to vector<64xf32>
    %broadcast_in_dim3A_691 = vector.shape_cast %reduce_sum3A_690 : vector<64xf32> to vector<64x1xf32>
    %reduce_sum3A_692 = arith.constant dense<0.000000e+00> : vector<64xf32>
    %reduce_sum3A_693 = vector.multi_reduction <add>, %get3A_140, %reduce_sum3A_692 [1] : vector<64x512xf32> to vector<64xf32>
    %broadcast_in_dim3A_694 = vector.shape_cast %reduce_sum3A_693 : vector<64xf32> to vector<64x1xf32>
    %reduce_sum3A_695 = arith.constant dense<0.000000e+00> : vector<64xf32>
    %reduce_sum3A_696 = vector.multi_reduction <add>, %get3A_145, %reduce_sum3A_695 [1] : vector<64x512xf32> to vector<64xf32>
    %broadcast_in_dim3A_697 = vector.shape_cast %reduce_sum3A_696 : vector<64xf32> to vector<64x1xf32>
    %reduce_sum3A_698 = arith.constant dense<0.000000e+00> : vector<64xf32>
    %reduce_sum3A_699 = vector.multi_reduction <add>, %get3A_150, %reduce_sum3A_698 [1] : vector<64x512xf32> to vector<64xf32>
    %broadcast_in_dim3A_700 = vector.shape_cast %reduce_sum3A_699 : vector<64xf32> to vector<64x1xf32>
    %reduce_sum3A_701 = arith.constant dense<0.000000e+00> : vector<64xf32>
    %reduce_sum3A_702 = vector.multi_reduction <add>, %get3A_155, %reduce_sum3A_701 [1] : vector<64x512xf32> to vector<64xf32>
    %broadcast_in_dim3A_703 = vector.shape_cast %reduce_sum3A_702 : vector<64xf32> to vector<64x1xf32>
    %reduce_sum3A_704 = arith.constant dense<0.000000e+00> : vector<64xf32>
    %reduce_sum3A_705 = vector.multi_reduction <add>, %get3A_160, %reduce_sum3A_704 [1] : vector<64x512xf32> to vector<64xf32>
    %broadcast_in_dim3A_706 = vector.shape_cast %reduce_sum3A_705 : vector<64xf32> to vector<64x1xf32>
    %reduce_sum3A_707 = arith.constant dense<0.000000e+00> : vector<64xf32>
    %reduce_sum3A_708 = vector.multi_reduction <add>, %get3A_165, %reduce_sum3A_707 [1] : vector<64x512xf32> to vector<64xf32>
    %broadcast_in_dim3A_709 = vector.shape_cast %reduce_sum3A_708 : vector<64xf32> to vector<64x1xf32>
    %reduce_sum3A_710 = arith.constant dense<0.000000e+00> : vector<64xf32>
    %reduce_sum3A_711 = vector.multi_reduction <add>, %get3A_170, %reduce_sum3A_710 [1] : vector<64x512xf32> to vector<64xf32>
    %broadcast_in_dim3A_712 = vector.shape_cast %reduce_sum3A_711 : vector<64xf32> to vector<64x1xf32>
    %reduce_sum3A_713 = arith.constant dense<0.000000e+00> : vector<64xf32>
    %reduce_sum3A_714 = vector.multi_reduction <add>, %get3A_175, %reduce_sum3A_713 [1] : vector<64x512xf32> to vector<64xf32>
    %broadcast_in_dim3A_715 = vector.shape_cast %reduce_sum3A_714 : vector<64xf32> to vector<64x1xf32>
    %reduce_sum3A_716 = arith.constant dense<0.000000e+00> : vector<64xf32>
    %reduce_sum3A_717 = vector.multi_reduction <add>, %get3A_180, %reduce_sum3A_716 [1] : vector<64x512xf32> to vector<64xf32>
    %broadcast_in_dim3A_718 = vector.shape_cast %reduce_sum3A_717 : vector<64xf32> to vector<64x1xf32>
    %concatenate3A = tpu.concatenate %add3A_374, %add3A_379, %add3A_384, %add3A_389, %add3A_394, %add3A_399, %add3A_404, %add3A_409, %add3A_414, %add3A_419, %add3A_424, %add3A_429, %add3A_434, %add3A_439, %add3A_444, %add3A_449, %add3A_454, %add3A_459, %add3A_464, %add3A_469, %add3A_474, %add3A_479, %add3A_484, %add3A_489, %add3A_494, %add3A_499, %add3A_504, %add3A_509, %add3A_514, %add3A_519, %add3A_524, %add3A_529 in 0 : vector<1x512xf32>, vector<1x512xf32>, vector<1x512xf32>, vector<1x512xf32>, vector<1x512xf32>, vector<1x512xf32>, vector<1x512xf32>, vector<1x512xf32>, vector<1x512xf32>, vector<1x512xf32>, vector<1x512xf32>, vector<1x512xf32>, vector<1x512xf32>, vector<1x512xf32>, vector<1x512xf32>, vector<1x512xf32>, vector<1x512xf32>, vector<1x512xf32>, vector<1x512xf32>, vector<1x512xf32>, vector<1x512xf32>, vector<1x512xf32>, vector<1x512xf32>, vector<1x512xf32>, vector<1x512xf32>, vector<1x512xf32>, vector<1x512xf32>, vector<1x512xf32>, vector<1x512xf32>, vector<1x512xf32>, vector<1x512xf32>, vector<1x512xf32> -> vector<32x512xf32>
    %logistic3A = arith.negf %concatenate3A : vector<32x512xf32>
    %logistic3A_719 = math.exp %logistic3A : vector<32x512xf32>
    %logistic3A_720 = arith.constant 1.000000e+00 : f32
    %logistic3A_721 = vector.broadcast %logistic3A_720 : f32 to vector<32x512xf32>
    %logistic3A_722 = arith.addf %logistic3A_721, %logistic3A_719 : vector<32x512xf32>
    %logistic3A_723 = arith.divf %logistic3A_721, %logistic3A_722 : vector<32x512xf32>
    %swap3A = arith.constant 0 : index
    %swap3A_724 = arith.constant 0 : index
    %swap3A_725 = vector.load %arg8[%swap3A, %swap3A_724] : memref<32x512xf32, #tpu.memory_space<vmem>>, vector<32x512xf32>
    tpu.vector_store %arg8[%swap3A, %swap3A_724], %logistic3A_723 {strides = array<i32>} : memref<32x512xf32, #tpu.memory_space<vmem>>, vector<32x512xf32>,
    %concatenate3A_726 = tpu.concatenate %reshape3A, %reshape3A_534, %reshape3A_537, %reshape3A_540, %reshape3A_543, %reshape3A_546, %reshape3A_549, %reshape3A_552, %reshape3A_555, %reshape3A_558, %reshape3A_561, %reshape3A_564, %reshape3A_567, %reshape3A_570, %reshape3A_573, %reshape3A_576, %reshape3A_579, %reshape3A_582, %reshape3A_585, %reshape3A_588, %reshape3A_591, %reshape3A_594, %reshape3A_597, %reshape3A_600, %reshape3A_603, %reshape3A_606, %reshape3A_609, %reshape3A_612, %reshape3A_615, %reshape3A_618, %reshape3A_621, %reshape3A_624 in 0 : vector<1x16x512xf32>, vector<1x16x512xf32>, vector<1x16x512xf32>, vector<1x16x512xf32>, vector<1x16x512xf32>, vector<1x16x512xf32>, vector<1x16x512xf32>, vector<1x16x512xf32>, vector<1x16x512xf32>, vector<1x16x512xf32>, vector<1x16x512xf32>, vector<1x16x512xf32>, vector<1x16x512xf32>, vector<1x16x512xf32>, vector<1x16x512xf32>, vector<1x16x512xf32>, vector<1x16x512xf32>, vector<1x16x512xf32>, vector<1x16x512xf32>, vector<1x16x512xf32>, vector<1x16x512xf32>, vector<1x16x512xf32>, vector<1x16x512xf32>, vector<1x16x512xf32>, vector<1x16x512xf32>, vector<1x16x512xf32>, vector<1x16x512xf32>, vector<1x16x512xf32>, vector<1x16x512xf32>, vector<1x16x512xf32>, vector<1x16x512xf32>, vector<1x16x512xf32> -> vector<32x16x512xf32>
    %swap3A_727 = arith.constant 0 : index
    %swap3A_728 = arith.constant 0 : index
    %swap3A_729 = arith.constant 0 : index
    %swap3A_730 = vector.load %arg9[%swap3A_727, %swap3A_728, %swap3A_729] : memref<32x16x512xf32, #tpu.memory_space<vmem>>, vector<32x16x512xf32>
    tpu.vector_store %arg9[%swap3A_727, %swap3A_728, %swap3A_729], %concatenate3A_726 {strides = array<i32>} : memref<32x16x512xf32, #tpu.memory_space<vmem>>, vector<32x16x512xf32>,
    %concatenate3A_731 = tpu.concatenate %broadcast_in_dim3A, %broadcast_in_dim3A_628, %broadcast_in_dim3A_631, %broadcast_in_dim3A_634, %broadcast_in_dim3A_637, %broadcast_in_dim3A_640, %broadcast_in_dim3A_643, %broadcast_in_dim3A_646, %broadcast_in_dim3A_649, %broadcast_in_dim3A_652, %broadcast_in_dim3A_655, %broadcast_in_dim3A_658, %broadcast_in_dim3A_661, %broadcast_in_dim3A_664, %broadcast_in_dim3A_667, %broadcast_in_dim3A_670, %broadcast_in_dim3A_673, %broadcast_in_dim3A_676, %broadcast_in_dim3A_679, %broadcast_in_dim3A_682, %broadcast_in_dim3A_685, %broadcast_in_dim3A_688, %broadcast_in_dim3A_691, %broadcast_in_dim3A_694, %broadcast_in_dim3A_697, %broadcast_in_dim3A_700, %broadcast_in_dim3A_703, %broadcast_in_dim3A_706, %broadcast_in_dim3A_709, %broadcast_in_dim3A_712, %broadcast_in_dim3A_715, %broadcast_in_dim3A_718 in 1 : vector<64x1xf32>, vector<64x1xf32>, vector<64x1xf32>, vector<64x1xf32>, vector<64x1xf32>, vector<64x1xf32>, vector<64x1xf32>, vector<64x1xf32>, vector<64x1xf32>, vector<64x1xf32>, vector<64x1xf32>, vector<64x1xf32>, vector<64x1xf32>, vector<64x1xf32>, vector<64x1xf32>, vector<64x1xf32>, vector<64x1xf32>, vector<64x1xf32>, vector<64x1xf32>, vector<64x1xf32>, vector<64x1xf32>, vector<64x1xf32>, vector<64x1xf32>, vector<64x1xf32>, vector<64x1xf32>, vector<64x1xf32>, vector<64x1xf32>, vector<64x1xf32>, vector<64x1xf32>, vector<64x1xf32>, vector<64x1xf32>, vector<64x1xf32> -> vector<64x32xf32>
    %eq3A = arith.constant 0 : i32
    %eq3A_732 = arith.cmpi eq, %arg0, %eq3A : i32
    %convert_element_type3A_733 = arith.extui %eq3A_732 : i1 to i32
    %cond3A = arith.constant 0 : i32
    %cond3A_734 = arith.cmpi ne, %convert_element_type3A_733, %cond3A : i32
    scf.if %cond3A_734 {
      %swap3A_739 = arith.constant 0 : index
      %swap3A_740 = arith.constant 0 : index
      %swap3A_741 = vector.load %arg10[%swap3A_739, %swap3A_740] : memref<64x32xf32, #tpu.memory_space<vmem>>, vector<64x32xf32>
      tpu.vector_store %arg10[%swap3A_739, %swap3A_740], %concatenate3A_731 {strides = array<i32>} : memref<64x32xf32, #tpu.memory_space<vmem>>, vector<64x32xf32>,
    } else {
    }
    %gt3A = arith.constant 0 : i32
    %gt3A_735 = arith.cmpi sgt, %arg0, %gt3A : i32
    %convert_element_type3A_736 = arith.extui %gt3A_735 : i1 to i32
    %cond3A_737 = arith.constant 0 : i32
    %cond3A_738 = arith.cmpi ne, %convert_element_type3A_736, %cond3A_737 : i32
    scf.if %cond3A_738 {
      %get3A_739 = arith.constant 0 : index
      %get3A_740 = arith.constant 0 : index
      %get3A_741 = vector.load %arg10[%get3A_739, %get3A_740] : memref<64x32xf32, #tpu.memory_space<vmem>>, vector<64x32xf32>
      %add3A_742 = arith.addf %get3A_741, %concatenate3A_731 : vector<64x32xf32>
      %swap3A_743 = arith.constant 0 : index
      %swap3A_744 = arith.constant 0 : index
      %swap3A_745 = vector.load %arg10[%swap3A_743, %swap3A_744] : memref<64x32xf32, #tpu.memory_space<vmem>>, vector<64x32xf32>
      tpu.vector_store %arg10[%swap3A_743, %swap3A_744], %add3A_742 {strides = array<i32>} : memref<64x32xf32, #tpu.memory_space<vmem>>, vector<64x32xf32>,
    } else {
    }
    return
  }
  func.func @transform_0(%arg0: i32) -> (i32, i32, i32) {
    %c0_i32 = arith.constant 0 : i32
    %c0_i32_0 = arith.constant 0 : i32
    %c0_i32_1 = arith.constant 0 : i32
    return %c0_i32, %c0_i32_0, %arg0 : i32, i32, i32
  }
  func.func @transform_1(%arg0: i32) -> (i32, i32) {
    %c0_i32 = arith.constant 0 : i32
    %c0_i32_0 = arith.constant 0 : i32
    %c0_i32_1 = arith.constant 0 : i32
    return %c0_i32, %c0_i32_0 : i32, i32
  }
  func.func @transform_2(%arg0: i32) -> (i32, i32) {
    %c0_i32 = arith.constant 0 : i32
    %c0_i32_0 = arith.constant 0 : i32
    %c0_i32_1 = arith.constant 0 : i32
    return %c0_i32, %c0_i32_0 : i32, i32
  }
  func.func @transform_3(%arg0: i32) -> (i32, i32) {
    %c0_i32 = arith.constant 0 : i32
    %c0_i32_0 = arith.constant 0 : i32
    %c0_i32_1 = arith.constant 0 : i32
    return %c0_i32, %c0_i32_0 : i32, i32
  }
  func.func @transform_4(%arg0: i32) -> (i32, i32) {
    %c0_i32 = arith.constant 0 : i32
    %c0_i32_0 = arith.constant 0 : i32
    %c0_i32_1 = arith.constant 0 : i32
    return %c0_i32, %c0_i32_0 : i32, i32
  }
  func.func @transform_5(%arg0: i32) -> (i32, i32) {
    %c0_i32 = arith.constant 0 : i32
    %c0_i32_0 = arith.constant 0 : i32
    %c0_i32_1 = arith.constant 0 : i32
    return %c0_i32, %c0_i32_0 : i32, i32
  }
  func.func @transform_6(%arg0: i32) -> (i32, i32) {
    %c0_i32 = arith.constant 0 : i32
    %c0_i32_0 = arith.constant 0 : i32
    %c0_i32_1 = arith.constant 0 : i32
    return %c0_i32, %c0_i32_0 : i32, i32
  }
  func.func @transform_7(%arg0: i32) -> (i32, i32) {
    %c0_i32 = arith.constant 0 : i32
    %c0_i32_0 = arith.constant 0 : i32
    return %c0_i32, %arg0 : i32, i32
  }
  func.func @transform_8(%arg0: i32) -> (i32, i32, i32) {
    %c0_i32 = arith.constant 0 : i32
    %c0_i32_0 = arith.constant 0 : i32
    %c0_i32_1 = arith.constant 0 : i32
    return %c0_i32, %c0_i32_0, %arg0 : i32, i32, i32
  }
  func.func @transform_9(%arg0: i32) -> (i32, i32) {
    %c0_i32 = arith.constant 0 : i32
    %c0_i32_0 = arith.constant 0 : i32
    %c0_i32_1 = arith.constant 0 : i32
    return %c0_i32, %c0_i32_0 : i32, i32
  }
}

module attributes {stable_mosaic.version = 14 : i64} {
  func.func @_k4_body(%arg0: memref<512x16x128xf32, #tpu.memory_space<vmem>>, %arg1: memref<512x1xf32, #tpu.memory_space<vmem>>, %arg2: memref<512x1xf32, #tpu.memory_space<vmem>>, %arg3: memref<512x1xi32, #tpu.memory_space<vmem>>, %arg4: memref<64x32xf32, #tpu.memory_space<vmem>>, %arg5: memref<32x2xf32, #tpu.memory_space<vmem>>, %arg6: memref<64x16xf32, #tpu.memory_space<vmem>>, %arg7: memref<3x16xf32, #tpu.memory_space<vmem>>, %arg8: memref<64x1xf32, #tpu.memory_space<vmem>>, %arg9: memref<1x3xf32, #tpu.memory_space<vmem>>, %arg10: memref<64x1xf32, #tpu.memory_space<vmem>>, %arg11: memref<1x3xf32, #tpu.memory_space<vmem>>, %arg12: memref<16x256xf32, #tpu.memory_space<vmem>>, %arg13: memref<1x256xf32, #tpu.memory_space<vmem>>, %arg14: memref<512x256xf32, #tpu.memory_space<vmem>>) attributes {dimension_semantics = [], scalar_prefetch = 0 : i64, scratch_operands = 0 : i64, tpu.core_type = #tpu.core_type<tc>} {
    %get3A = arith.constant 0 : index
    %get3A_0 = arith.constant 0 : index
    %get3A_1 = vector.load %arg3[%get3A, %get3A_0] : memref<512x1xi32, #tpu.memory_space<vmem>>, vector<512x1xi32>
    %and3A = arith.constant 127 : i32
    %and3A_2 = vector.broadcast %and3A : i32 to vector<512x1xi32>
    %and3A_3 = arith.andi %get3A_1, %and3A_2 : vector<512x1xi32>
    %iota3A = tpu.iota {dimensions = array<i32: 1>} : vector<512x128xi32>
    %eq3A = vector.broadcast %and3A_3 : vector<512x1xi32> to vector<512x128xi32>
    %eq3A_4 = arith.cmpi eq, %iota3A, %eq3A : vector<512x128xi32>
    %convert_element_type3A = arith.extui %eq3A_4 : vector<512x128xi1> to vector<512x128xi32>
    %convert_element_type3A_5 = arith.sitofp %convert_element_type3A : vector<512x128xi32> to vector<512x128xf32>
    %get3A_6 = arith.constant 0 : index
    %get3A_7 = arith.constant 0 : index
    %get3A_8 = arith.constant 0 : index
    %get3A_9 = vector.load %arg0[%get3A_6, %get3A_7, %get3A_8] : memref<512x16x128xf32, #tpu.memory_space<vmem>>, vector<512x16x128xf32>
    %reshape3A = vector.shape_cast %convert_element_type3A_5 : vector<512x128xf32> to vector<512x1x128xf32>
    %mul3A = vector.broadcast %reshape3A : vector<512x1x128xf32> to vector<512x16x128xf32>
    %mul3A_10 = arith.mulf %get3A_9, %mul3A : vector<512x16x128xf32>
    %reduce_sum3A = arith.constant dense<0.000000e+00> : vector<512x16xf32>
    %reduce_sum3A_11 = vector.multi_reduction <add>, %mul3A_10, %reduce_sum3A [2] : vector<512x16x128xf32> to vector<512x16xf32>
    %get3A_12 = arith.constant 0 : index
    %get3A_13 = arith.constant 0 : index
    %get3A_14 = vector.load %arg11[%get3A_12, %get3A_13] : memref<1x3xf32, #tpu.memory_space<vmem>>, vector<1x1xf32>
    %get3A_15 = vector.extract %get3A_14[0, 0] : f32 from vector<1x1xf32>
    %div3A = arith.constant 1.000000e+00 : f32
    %div3A_16 = arith.divf %div3A, %get3A_15 : f32
    %get3A_17 = arith.constant 0 : index
    %get3A_18 = arith.constant 1 : index
    %get3A_19 = vector.load %arg11[%get3A_17, %get3A_18] : memref<1x3xf32, #tpu.memory_space<vmem>>, vector<1x1xf32>
    %get3A_20 = vector.extract %get3A_19[0, 0] : f32 from vector<1x1xf32>
    %div3A_21 = arith.constant 1.000000e+00 : f32
    %div3A_22 = arith.divf %div3A_21, %get3A_20 : f32
    %get3A_23 = arith.constant 0 : index
    %get3A_24 = arith.constant 2 : index
    %get3A_25 = vector.load %arg11[%get3A_23, %get3A_24] : memref<1x3xf32, #tpu.memory_space<vmem>>, vector<1x1xf32>
    %get3A_26 = vector.extract %get3A_25[0, 0] : f32 from vector<1x1xf32>
    %div3A_27 = arith.constant 1.000000e+00 : f32
    %div3A_28 = arith.divf %div3A_27, %get3A_26 : f32
    %get3A_29 = arith.constant 0 : index
    %get3A_30 = arith.constant 0 : index
    %get3A_31 = vector.load %arg7[%get3A_29, %get3A_30] : memref<3x16xf32, #tpu.memory_space<vmem>>, vector<1x16xf32>
    %mul3A_32 = vector.broadcast %div3A_16 : f32 to vector<1x16xf32>
    %mul3A_33 = arith.mulf %get3A_31, %mul3A_32 : vector<1x16xf32>
    %get3A_34 = arith.constant 1 : index
    %get3A_35 = arith.constant 0 : index
    %get3A_36 = vector.load %arg7[%get3A_34, %get3A_35] : memref<3x16xf32, #tpu.memory_space<vmem>>, vector<1x16xf32>
    %mul3A_37 = vector.broadcast %div3A_22 : f32 to vector<1x16xf32>
    %mul3A_38 = arith.mulf %get3A_36, %mul3A_37 : vector<1x16xf32>
    %get3A_39 = arith.constant 2 : index
    %get3A_40 = arith.constant 0 : index
    %get3A_41 = vector.load %arg7[%get3A_39, %get3A_40] : memref<3x16xf32, #tpu.memory_space<vmem>>, vector<1x16xf32>
    %mul3A_42 = vector.broadcast %div3A_28 : f32 to vector<1x16xf32>
    %mul3A_43 = arith.mulf %get3A_41, %mul3A_42 : vector<1x16xf32>
    %get3A_44 = arith.constant 0 : index
    %get3A_45 = arith.constant 0 : index
    %get3A_46 = vector.load %arg1[%get3A_44, %get3A_45] : memref<512x1xf32, #tpu.memory_space<vmem>>, vector<512x1xf32>
    %mul3A_47 = vector.broadcast %get3A_46 : vector<512x1xf32> to vector<512x16xf32>
    %mul3A_48 = vector.broadcast %mul3A_33 : vector<1x16xf32> to vector<512x16xf32>
    %mul3A_49 = arith.mulf %mul3A_47, %mul3A_48 : vector<512x16xf32>
    %add3A = arith.addf %reduce_sum3A_11, %mul3A_49 : vector<512x16xf32>
    %convert_element_type3A_50 = arith.sitofp %get3A_1 : vector<512x1xi32> to vector<512x1xf32>
    %mul3A_51 = arith.constant 1.22070313E-4 : f32
    %mul3A_52 = vector.broadcast %mul3A_51 : f32 to vector<512x1xf32>
    %mul3A_53 = arith.mulf %convert_element_type3A_50, %mul3A_52 : vector<512x1xf32>
    %mul3A_54 = vector.broadcast %mul3A_53 : vector<512x1xf32> to vector<512x16xf32>
    %mul3A_55 = vector.broadcast %mul3A_38 : vector<1x16xf32> to vector<512x16xf32>
    %mul3A_56 = arith.mulf %mul3A_54, %mul3A_55 : vector<512x16xf32>
    %add3A_57 = arith.addf %add3A, %mul3A_56 : vector<512x16xf32>
    %get3A_58 = arith.constant 0 : index
    %get3A_59 = arith.constant 0 : index
    %get3A_60 = vector.load %arg2[%get3A_58, %get3A_59] : memref<512x1xf32, #tpu.memory_space<vmem>>, vector<512x1xf32>
    %mul3A_61 = arith.constant 1.22070313E-4 : f32
    %mul3A_62 = vector.broadcast %mul3A_61 : f32 to vector<512x1xf32>
    %mul3A_63 = arith.mulf %get3A_60, %mul3A_62 : vector<512x1xf32>
    %mul3A_64 = vector.broadcast %mul3A_63 : vector<512x1xf32> to vector<512x16xf32>
    %mul3A_65 = vector.broadcast %mul3A_43 : vector<1x16xf32> to vector<512x16xf32>
    %mul3A_66 = arith.mulf %mul3A_64, %mul3A_65 : vector<512x16xf32>
    %add3A_67 = arith.addf %add3A_57, %mul3A_66 : vector<512x16xf32>
    %get3A_68 = arith.constant 0 : index
    %get3A_69 = arith.constant 0 : index
    %get3A_70 = vector.load %arg5[%get3A_68, %get3A_69] : memref<32x2xf32, #tpu.memory_space<vmem>>, vector<32x1xf32>
    %get3A_71 = arith.constant 0 : index
    %get3A_72 = arith.constant 1 : index
    %get3A_73 = vector.load %arg5[%get3A_71, %get3A_72] : memref<32x2xf32, #tpu.memory_space<vmem>>, vector<32x1xf32>
    %get3A_74 = arith.constant 0 : index
    %get3A_75 = arith.constant 0 : index
    %get3A_76 = vector.load %arg4[%get3A_74, %get3A_75] : memref<64x32xf32, #tpu.memory_space<vmem>>, vector<64x32xf32>
    %mul3A_77 = arith.constant 1.22070313E-4 : f32
    %mul3A_78 = vector.broadcast %mul3A_77 : f32 to vector<64x32xf32>
    %mul3A_79 = arith.mulf %get3A_76, %mul3A_78 : vector<64x32xf32>
    %get3A_80 = arith.constant 0 : index
    %get3A_81 = arith.constant 0 : index
    %get3A_82 = vector.load %arg8[%get3A_80, %get3A_81] : memref<64x1xf32, #tpu.memory_space<vmem>>, vector<64x1xf32>
    %add3A_83 = vector.broadcast %get3A_82 : vector<64x1xf32> to vector<64x32xf32>
    %add3A_84 = arith.addf %mul3A_79, %add3A_83 : vector<64x32xf32>
    %get3A_85 = arith.constant 0 : index
    %get3A_86 = arith.constant 0 : index
    %get3A_87 = vector.load %arg10[%get3A_85, %get3A_86] : memref<64x1xf32, #tpu.memory_space<vmem>>, vector<64x1xf32>
    %div3A_88 = vector.broadcast %get3A_87 : vector<64x1xf32> to vector<64x32xf32>
    %div3A_89 = arith.divf %add3A_84, %div3A_88 : vector<64x32xf32>
    %get3A_90 = arith.constant 0 : index
    %get3A_91 = arith.constant 0 : index
    %get3A_92 = vector.load %arg6[%get3A_90, %get3A_91] : memref<64x16xf32, #tpu.memory_space<vmem>>, vector<64x16xf32>
    %dot_general3A = arith.constant dense<0.000000e+00> : vector<32x16xf32>
    %dot_general3A_93 = tpu.matmul %div3A_89, %get3A_92, %dot_general3A {dimension_numbers = #tpu.dot_dimension_numbers<[0], [0], [1], [1], [0, 1, 1, 1], [], []>, transpose_lhs_hint = false} : vector<64x32xf32>, vector<64x16xf32>, vector<32x16xf32> -> vector<32x16xf32>
    %get3A_94 = arith.constant 0 : index
    %get3A_95 = arith.constant 0 : index
    %get3A_96 = vector.load %arg9[%get3A_94, %get3A_95] : memref<1x3xf32, #tpu.memory_space<vmem>>, vector<1x1xf32>
    %get3A_97 = vector.extract %get3A_96[0, 0] : f32 from vector<1x1xf32>
    %add3A_98 = vector.broadcast %get3A_97 : f32 to vector<32x1xf32>
    %add3A_99 = arith.addf %get3A_70, %add3A_98 : vector<32x1xf32>
    %mul3A_100 = vector.broadcast %add3A_99 : vector<32x1xf32> to vector<32x16xf32>
    %mul3A_101 = vector.broadcast %mul3A_33 : vector<1x16xf32> to vector<32x16xf32>
    %mul3A_102 = arith.mulf %mul3A_100, %mul3A_101 : vector<32x16xf32>
    %add3A_103 = arith.addf %dot_general3A_93, %mul3A_102 : vector<32x16xf32>
    %get3A_104 = arith.constant 0 : index
    %get3A_105 = arith.constant 1 : index
    %get3A_106 = vector.load %arg9[%get3A_104, %get3A_105] : memref<1x3xf32, #tpu.memory_space<vmem>>, vector<1x1xf32>
    %get3A_107 = vector.extract %get3A_106[0, 0] : f32 from vector<1x1xf32>
    %add3A_108 = arith.constant 0.499938965 : f32
    %add3A_109 = arith.addf %add3A_108, %get3A_107 : f32
    %mul3A_110 = vector.broadcast %add3A_109 : f32 to vector<1x16xf32>
    %mul3A_111 = arith.mulf %mul3A_110, %mul3A_38 : vector<1x16xf32>
    %add3A_112 = vector.broadcast %mul3A_111 : vector<1x16xf32> to vector<32x16xf32>
    %add3A_113 = arith.addf %add3A_103, %add3A_112 : vector<32x16xf32>
    %get3A_114 = arith.constant 0 : index
    %get3A_115 = arith.constant 2 : index
    %get3A_116 = vector.load %arg9[%get3A_114, %get3A_115] : memref<1x3xf32, #tpu.memory_space<vmem>>, vector<1x1xf32>
    %get3A_117 = vector.extract %get3A_116[0, 0] : f32 from vector<1x1xf32>
    %add3A_118 = vector.broadcast %get3A_117 : f32 to vector<32x1xf32>
    %add3A_119 = arith.addf %get3A_73, %add3A_118 : vector<32x1xf32>
    %mul3A_120 = vector.broadcast %add3A_119 : vector<32x1xf32> to vector<32x16xf32>
    %mul3A_121 = vector.broadcast %mul3A_43 : vector<1x16xf32> to vector<32x16xf32>
    %mul3A_122 = arith.mulf %mul3A_120, %mul3A_121 : vector<32x16xf32>
    %add3A_123 = arith.addf %add3A_113, %mul3A_122 : vector<32x16xf32>
    %broadcast_in_dim3A = vector.shape_cast %add3A_123 : vector<32x16xf32> to vector<32x1x16xf32>
    %broadcast_in_dim3A_124 = vector.shape_cast %broadcast_in_dim3A : vector<32x1x16xf32> to vector<32x1x16xf32>
    %broadcast_in_dim3A_125 = vector.broadcast %broadcast_in_dim3A_124 : vector<32x1x16xf32> to vector<32x16x16xf32>
    %reshape3A_126 = vector.shape_cast %broadcast_in_dim3A_125 : vector<32x16x16xf32> to vector<512x16xf32>
    %sub3A = arith.subf %add3A_67, %reshape3A_126 : vector<512x16xf32>
    %mul3A_127 = arith.mulf %sub3A, %sub3A : vector<512x16xf32>
    %reduce_sum3A_128 = arith.constant dense<0.000000e+00> : vector<512xf32>
    %reduce_sum3A_129 = vector.multi_reduction <add>, %mul3A_127, %reduce_sum3A_128 [1] : vector<512x16xf32> to vector<512xf32>
    %broadcast_in_dim3A_130 = vector.shape_cast %reduce_sum3A_129 : vector<512xf32> to vector<512x1xf32>
    %sqrt3A = math.sqrt %broadcast_in_dim3A_130 : vector<512x1xf32>
    %add3A_131 = arith.constant 9.99999997E-7 : f32
    %add3A_132 = vector.broadcast %add3A_131 : f32 to vector<512x1xf32>
    %add3A_133 = arith.addf %sqrt3A, %add3A_132 : vector<512x1xf32>
    %div3A_134 = vector.broadcast %add3A_133 : vector<512x1xf32> to vector<512x16xf32>
    %div3A_135 = arith.divf %sub3A, %div3A_134 : vector<512x16xf32>
    %get3A_136 = arith.constant 0 : index
    %get3A_137 = arith.constant 0 : index
    %get3A_138 = vector.load %arg12[%get3A_136, %get3A_137] : memref<16x256xf32, #tpu.memory_space<vmem>>, vector<16x256xf32>
    %dot_general3A_139 = arith.constant dense<0.000000e+00> : vector<512x256xf32>
    %dot_general3A_140 = tpu.matmul %div3A_135, %get3A_138, %dot_general3A_139 {dimension_numbers = #tpu.dot_dimension_numbers<[1], [0], [0], [1], [0, 0, 1, 1], [], []>, transpose_lhs_hint = false} : vector<512x16xf32>, vector<16x256xf32>, vector<512x256xf32> -> vector<512x256xf32>
    %get3A_141 = arith.constant 0 : index
    %get3A_142 = arith.constant 0 : index
    %get3A_143 = vector.load %arg13[%get3A_141, %get3A_142] : memref<1x256xf32, #tpu.memory_space<vmem>>, vector<1x256xf32>
    %add3A_144 = vector.broadcast %get3A_143 : vector<1x256xf32> to vector<512x256xf32>
    %add3A_145 = arith.addf %dot_general3A_140, %add3A_144 : vector<512x256xf32>
    %swap3A = arith.constant 0 : index
    %swap3A_146 = arith.constant 0 : index
    %swap3A_147 = vector.load %arg14[%swap3A, %swap3A_146] : memref<512x256xf32, #tpu.memory_space<vmem>>, vector<512x256xf32>
    tpu.vector_store %arg14[%swap3A, %swap3A_146], %add3A_145 {strides = array<i32>} : memref<512x256xf32, #tpu.memory_space<vmem>>, vector<512x256xf32>,
    return
  }
}

</mosaic_0001>

<sc_bundles>
// kernel: kernel.6.cloned.1.call-start
scs
__scs_entry_jumppad:
0x0: {  	(pc) =	sbr.rel $0x88, $3  }
0x1: {  	(tag) =	ssettag $0x0;
	lr =	simm.s32 $0x1  }
0x2: {  	[smem:$0x3F97] =	sst lr;
	_ =	strace $0xD0000000  }
0x3: {  	_ = 	snop  }
0x4: {  	_ = 	snop  }
0x5: {  	_ = 	snop  }
0x6: {  	_ = 	snop  }
0x7: {  	_ = 	snop  }
__scs_overlays_trampoline_lowered:
0x8: {  	[smem:$0x3FA6] =	sst s0  }
0x9: {  	[smem:$0x3FA7] =	sst s1  }
0xa: {  	[smem:$0x3FA8] =	sst s2  }
0xb: {  	[smem:$0x3FA9] =	sst s3  }
0xc: {  	[smem:$0x3FAA] =	sst s4  }
0xd: {  	[smem:$0x3FAB] =	sst s5  }
0xe: {  	[smem:$0x3FAC] =	sst s6  }
0xf: {  	[smem:$0x3FAD] =	sst s7  }
0x10: {  	[smem:$0x3FAE] =	sst s8  }
0x11: {  	[smem:$0x3FAF] =	sst s9;
	s0 =	simm.s32 @!p0 $0x0  }
0x12: {  	s1 =	sld [smem:$0x3F95];
	s0 =	simm.s32 @p0 $0x1  }
0x13: {  	[smem:$0x3FB0] =	sst s0;
	s0 =	simm.s32 @!p1 $0x0  }
0x14: {  	s2 =	sld [smem:$0x3F94];
	s0 =	simm.s32 @p1 $0x1  }
0x15: {  	[smem:$0x3FB1] =	sst s0;
	s0 =	simm.s32 @!p2 $0x0  }
0x16: {  	s3 =	sld [smem:$0x3FDB];
	s0 =	simm.s32 @p2 $0x1  }
0x17: {  	s4 =	simm.s32 $0x1BF5;
	[smem:$0x3FB3] =	sst s0  }
0x18: {  	s0 =	sld [smem:$0x3F96];
	_ =	swait.ge [sflag:s4], $0x0  }
0x19: {  	s7 =	sld [smem:$0x3F97]  }
0x1a: {  	s8 =	sadd.s32 $0xFFFFE003, lr  }
0x1b: {  	s9 =	sadd.s32 $0xFFFFFEF7, lr;
	s5 =	simm.s32 $0xFFFFFFFF;
	p2 =	slt.u32 s8, $0xFFFFF086  }
0x1c: {  	p1 =	slt.u32 s9, $0xF7A;
	s5 =	simm.s32 @!p2 $0x0  }
0x1d: {  	s5 =	simm.s32 @p1 $0x1;
	p0 =	seq.s32 s7, s2  }
0x1e: {  	s7 =	smul.u32 @!p0 $0xF7A, s2;
	p2 =	seq.s32 @!p0 s5, $0x0  }
0x1f: {  	s9 =	smul.u32 $0xF7A, s1;
	s8 =	simm.s32 @!p0 $0x1BF5;
	p2 =	por !p2, p0  }
0x20: {  	[sflag:s8] =	ssyncset.s32 @!p0 $0xFFFFF086;
	s6 =	sadd.s32 @!p0 s3, s7;
	s7 =	simm.s32 @!p0 $0x108  }
0x21: {  	s3 =	sadd.s32 s3, s9;
	s6 =	sadd.s32 @!p0 $0x88, s6;
	s7 =	simm.s32 @p2 $0x1082  }
0x22: {  	[simem:s7], [sflag:s8] =	dma.local @!p0 [hbm:s6], $0xF7A  }
0x23: {  	s9 =	sor.u32 $0xD0000000, s2;
	s6 =	simm.s32 $0x108;
	_ =	swait.ge @!p0 [sflag:s8], $0x0  }
0x24: {  	s3 =	sadd.s32 $0x88, s3;
	s6 =	simm.s32 @!p1 $0x1082;
	[sflag:s4] =	ssyncset.s32 $0xFFFFF086  }
0x25: {  	[simem:s6], [sflag:s4] =	dma.local [hbm:s3], $0xF7A  }
0x26: {  	[smem:$0x3F97] =	sst s1;
	(tag) =	ssettag s2;
	_ =	strace s9  }
0x27: {  	s1 =	sld [smem:$0x3FA7]  }
0x28: {  	s2 =	sld [smem:$0x3FA8]  }
0x29: {  	s4 =	sld [smem:$0x3FAA]  }
0x2a: {  	p0 =	seq.s32 s5, $0x0;
	s5 =	sld [smem:$0x3FAB]  }
0x2b: {  	s6 =	sld [smem:$0x3FAC]  }
0x2c: {  	s7 =	sld [smem:$0x3FAD]  }
0x2d: {  	s3 =	simm.s32 $0x108;
	s8 =	sld [smem:$0x3FAE]  }
0x2e: {  	s3 =	simm.s32 @!p0 $0x1082;
	s9 =	sld [smem:$0x3FAF]  }
0x2f: {  	lr =	sadd.s32 s0, s3;
	s0 =	sld [smem:$0x3FA6]  }
0x30: {  	s3 =	sld [smem:$0x3FA9]  }
0x31: {  	[smem:$0x3FB2] =	sst s10  }
0x32: {  	s10 =	sld [smem:$0x3FB0];
	_ =	sdelay $0x3  }
0x33: {  	p0 =	seq.s32 s10, $0x1;
	s10 =	sld [smem:$0x3FB2];
	_ =	sdelay $0x3  }
0x34: {  	[smem:$0x3FB2] =	sst s10  }
0x35: {  	s10 =	sld [smem:$0x3FB1];
	_ =	sdelay $0x3  }
0x36: {  	p1 =	seq.s32 s10, $0x1;
	s10 =	sld [smem:$0x3FB2];
	_ =	sdelay $0x3  }
0x37: {  	[smem:$0x3FB2] =	sst s10  }
0x38: {  	s10 =	sld [smem:$0x3FB3]  }
0x39: {  	_ = 	snop;
	(pc) =	sbr.ind lr, $3  }
0x3a: {  	_ = 	snop  }
0x3b: {  	_ = 	snop  }
0x3c: {  	p2 =	seq.s32 s10, $0x1;
	s10 =	sld [smem:$0x3FB2]  }
0x3d: {  	_ =	shalt  }
0x3e: {  	_ =	shalt  }
0x3f: {  	_ =	shalt  }
0x40: {  	_ =	shalt  }
0x41: {  	_ =	shalt  }
0x42: {  	_ =	shalt  }
0x43: {  	_ =	shalt  }
0x44: {  	_ =	shalt  }
0x45: {  	_ =	shalt  }
0x46: {  	_ =	shalt  }
0x47: {  	_ =	shalt  }
0x48: {  	_ =	shalt  }
0x49: {  	_ =	shalt  }
0x4a: {  	_ =	shalt  }
0x4b: {  	_ =	shalt  }
0x4c: {  	_ =	shalt  }
0x4d: {  	_ =	shalt  }
0x4e: {  	_ =	shalt  }
0x4f: {  	_ =	shalt  }
0x50: {  	_ =	shalt  }
0x51: {  	_ =	shalt  }
0x52: {  	_ =	shalt  }
0x53: {  	_ =	shalt  }
0x54: {  	_ =	shalt  }
0x55: {  	_ =	shalt  }
0x56: {  	_ =	shalt  }
0x57: {  	_ =	shalt  }
0x58: {  	_ =	shalt  }
0x59: {  	_ =	shalt  }
0x5a: {  	_ =	shalt  }
0x5b: {  	_ =	shalt  }
0x5c: {  	_ =	shalt  }
0x5d: {  	_ =	shalt  }
0x5e: {  	_ =	shalt  }
0x5f: {  	_ =	shalt  }
0x60: {  	_ =	shalt  }
0x61: {  	_ =	shalt  }
0x62: {  	_ =	shalt  }
0x63: {  	_ =	shalt  }
0x64: {  	_ =	shalt  }
0x65: {  	_ =	shalt  }
0x66: {  	_ =	shalt  }
0x67: {  	_ =	shalt  }
0x68: {  	_ =	shalt  }
0x69: {  	_ =	shalt  }
0x6a: {  	_ =	shalt  }
0x6b: {  	_ =	shalt  }
0x6c: {  	_ =	shalt  }
0x6d: {  	_ =	shalt  }
0x6e: {  	_ =	shalt  }
0x6f: {  	_ =	shalt  }
0x70: {  	_ =	shalt  }
0x71: {  	_ =	shalt  }
0x72: {  	_ =	shalt  }
0x73: {  	_ =	shalt  }
0x74: {  	_ =	shalt  }
0x75: {  	_ =	shalt  }
0x76: {  	_ =	shalt  }
0x77: {  	_ =	shalt  }
0x78: {  	_ =	shalt  }
0x79: {  	_ =	shalt  }
0x7a: {  	_ =	shalt  }
0x7b: {  	_ =	shalt  }
0x7c: {  	_ =	shalt  }
0x7d: {  	_ =	shalt  }
0x7e: {  	_ =	shalt  }
0x7f: {  	_ =	shalt  }
0x80: {  	_ =	shalt  }
0x81: {  	_ =	shalt  }
0x82: {  	_ =	shalt  }
0x83: {  	_ =	shalt  }
0x84: {  	_ =	shalt  }
0x85: {  	_ =	shalt  }
0x86: {  	_ =	shalt  }
0x87: {  	_ =	shalt  }
.Lfunc_end0:
.L_simem_size_0:
called_computation_lowered:
.L_overlay_start_0:
0x88: {  	s2 =	sld [smem:$0x3FD9]  }
0x89: {  	s3 =	sld [smem:$0x3FFE];
	_ =	sdelay $0x1  }
0x8a: {  	s1 =	srdreg.scid  }
0x8b: {  	s0 =	sand.u32 $0x1, s1  }
0x8c: {  	s14 =	sshll.u32 s0, $0xA;
	s2 =	sadd.s32 s3, s2  }
0x8d: {  	s2 =	sadd.s32 s2, s14  }
0x8e: {  	[smem:$0x3FBE] =	sst s2  }
0x8f: {  	_ = 	snop  }
0x90: {  	s2 =	sld [smem:$0x3FD0];
	_ =	sdelay $0x2  }
0x91: {  	s15 =	simm.s32 $0xA;
	s4 =	simm.s32 $0x10  }
0x92: {  	[smem:s4], [sflag:s15] =	dma.local [hbm:s2], $0x1  }
0x93: {  	_ =	swait.eq [sflag:s15], $0x1  }
0x94: {  	[sflag:s15] =	ssyncset.done $0x0  }
0x95: {  	[sflag:s15] =	ssyncadd.s32 $0xFFFFFFFF  }
0x96: {  	s16 =	sld [smem:$0x10];
	(tm) =	ssettm $0x1  }
0x97: {  	s17 =	sld [smem:$0x3FFB];
	_ =	sdelay $0x3  }
0x98: {  	_ =	strace s17  }
0x99: {  	s3 =	sld [smem:$0x3FFC];
	_ =	sdelay $0x3  }
0x9a: {  	_ =	strace s3  }
0x9b: {  	s3 =	sld [smem:$0x3FFD];
	_ =	sdelay $0x3  }
0x9c: {  	_ =	strace s3  }
0x9d: {  	_ =	strace $0x8FFFFFFF  }
0x9e: {  	s18 =	sld [smem:$0x3FDB];
	_ =	sdelay $0x1  }
0x9f: {  	s19 =	simm.s32 $_scs_section_size  }
0xa0: {  	s5 =	simm.s32 $_size__tile_overlayer_lowered;
	s6 =	simm.s32 $_tile_overlayer_lowered  }
0xa1: {  	s22 =	simm.s32 $0x1BFF;
	s21 =	sshll.u32 s6, $0x1;
	s3 =	sadd.s32 s19, s18  }
0xa2: {  	s7 =	simm.s32 $0x0;
	s20 =	sshll.u32 s5, $0x1;
	s5 =	sadd.s32 s21, s3  }
0xa3: {  	[timem:s7], [sflag:s22] =	dma.local [hbm:s5], s20  }
0xa4: {  	_ =	swait.ge [sflag:s22], s20  }
0xa5: {  	s4 =	ssub.s32 $0x0, s20;
	[sflag:s22] =	ssyncset.done $0x0  }
0xa6: {  	[sflag:s22] =	ssyncadd.s32 s4;
	_ =	sdelay $0x1  }
0xa7: {  	s23 =	simm.s32 $0x1B8B  }
0xa8: {  	_ =	swait.ge [sflag:s23], $0x1  }
0xa9: {  	[sflag:s23] =	ssyncset.done $0x0  }
0xaa: {  	s25 =	simm.s32 $0x1B8E;
	s24 =	sld [smem:$0x3FFE];
	[sflag:s23] =	ssyncadd.s32 $0xFFFFFFFF  }
0xab: {  	s26 =	simm.s32 $execute0_lowered;
	[smem:$0x3FD2] =	sst s25  }
0xac: {  	s5 =	sshll.u32 s26, $0x1;
	_ =	strace $0x80000046;
	[dreg:$0x1] =	wrdreg $0xFFFFFFFF  }
0xad: {  	s28 =	simm.s32 $_size_execute0_lowered;
	s3 =	sadd.s32 s3, s5;
	[dreg:$0x0] =	wrdreg $0x0  }
0xae: {  	s5 =	sshll.u32 s28, $0x1;
	[dreg:$0x2] =	wrdreg s3  }
0xaf: {  	[dreg:$0x3] =	wrdreg s5  }
0xb0: {  	[dreg:$0x4] =	wrdreg $0xC0  }
0xb1: {  	_ =	task [dreg:s7], $0x5FFFF  }
0xb2: {  	[dreg:$0x1] =	wrdreg $0xFFFFFFFF  }
0xb3: {  	[dreg:$0x0] =	wrdreg $0x60  }
0xb4: {  	[dreg:$0x2] =	wrdreg s24  }
0xb5: {  	[dreg:$0x3] =	wrdreg s16  }
0xb6: {  	[dreg:$0x4] =	wrdreg $0x9  }
0xb7: {  	_ =	task.clear_ibuf [dreg:s7], $0x5FFFF;
	_ =	strace $0x90000046  }
0xb8: {  	s29 =	simm.s32 $0x9;
	_ =	strace $0x80000048  }
0xb9: {  	_ =	swait.ge [sflag:s29], $0x1  }
0xba: {  	[sflag:s29] =	ssyncadd.s32 $0xFFFFFFFF  }
0xbb: {  	_ =	strace $0x90000048  }
0xbc: {  	_ =	sfence  }
0xbd: {  	s30 =	sld [smem:$0x0];
	_ =	sdelay $0x2  }
0xbe: {  	s31 =	sshll.u32 s1, $0xD;
	s1 =	sshrl.u32 s1, $0x2  }
0xbf: {  	s3 =	sand.u32 $0x4000, s31;
	s1 =	sadd.s32 s1, s30  }
0xc0: {  	s0 =	sor.u32 s3, s0;
	s1 =	sshll.u32 s1, $0x11  }
0xc1: {  	s0 =	sor.u32 s1, s0  }
0xc2: {  	s0 =	sadd.s32 $0x8F2B, s0  }
0xc3: {  	[sflag:s0] =	ssyncadd.remote.s32 $0x1  }
0xc4: {  	_ =	sfence.sel $0xFFFF  }
0xc5: {  	[dreg:$0x0] =	wrdreg $0xFFFFFFFF;
	(pc) =	sbr.abs _section_cstart, $3  }
0xc6: {  	[dreg:$0x1] =	wrdreg $0xFFFFFFFF  }
0xc7: {  	_ =	task.clear_ibuf [dreg:s7], $0x2FFFF;
	_ =	strace $0x9FFFFFFF  }
0xc8: {  	(tm) =	ssettm $0x7FFFFFFF  }
0xc9: {  	_ =	shalt  }
tec
execute0_lowered:
.L_overlay_start_1:
0x0: {  	(tag) =	ssettag $0x1  }
0x1: {  	s10 =	rddreg [dreg:$0x0];
	s1 =	srdreg.scid  }
0x2: {  	s0 =	stileid.u32;
	s3 =	rddreg [dreg:$0x1];
	s6 =	simm.s32 $0x400  }
0x3: {  	s9 =	simm.s32 $0x1;
	s8 =	sand.u32 $0x1, s1;
	s2 =	sshll.u32 s0, $0x1  }
0x4: {  	s1 =	rddreg [dreg:$0x2];
	s4 =	sshll.u32 s0, $0x6;
	s7 =	sadd.s32 $0x1A00, s10  }
0x5: {  	s11 =	sor.u32 s8, s2;
	s2 =	simm.s32 $0x0;
	s4 =	sand.u32 $0x300, s4  }
0x6: {  	s12 =	ssub.s32 $0x2, s8;
	s5 =	sshll.u32 s11, $0x4;
	[smem:$0x7FF] =	sst s2  }
0x7: {  	s3 =	sadd.s32 s3, s4;
	s4 =	simm.s32 $0x80;
	s5 =	sand.u32 $0x70, s5  }
0x8: {  	_ =	strace $0x80000047;
	s3 =	sadd.s32 s5, s3;
	s5 =	simm.s32 $0x2  }
0x9: {  	[tilespmem:s2], [sflag:$0x2] =	stream.strided.gather [hbm4b:s3+s4], $0x100, s6, s4, $0x38;
	[tilespmem:$0x8100] =	vst v63  }
0xa: {  	s8 =	simm.s32 $0x100;
	s13 =	sshrl.u32 s12, $0x1;
	_ =	swait.ge [sflag:s5], $0x100  }
0xb: {  	s11 =	sshll.u32 s11, $0xC;
	s31 =	ssub.s32 s12, s13;
	[sflag:s5] =	ssyncset.done $0x0  }
0xc: {  	s10 =	sadd.s32 s11, s10;
	s11 =	smax.u32 s31, $0x1;
	[sflag:s5] =	ssyncadd.s32 $0xFFFFFF00  }
0xd: {  	[tilespmem:s8], [sflag:$0x1] =	stream.indirect.gather [hbm4b:s7+s8], $0x80, s2, s8, $0xb8;
	[tilespmem:$0x8100] =	vst v63  }
0xe: {  	p0 =	sne.s32 s11, $0x1;
	_ =	swait.ge [sflag:s9], $0x8000  }
.Ltmp0:
0xf: {  	[sflag:s9] =	ssyncset.done $0x0;
	(pc) =	sbr.rel @!p0 .LBB2_2-.Ltmp0, $4  }
0x10: {  	s10 =	sadd.s32 $0x81A00, s10;
	[sflag:s9] =	ssyncadd.s32 $0xFFFF8000  }
0x11: {  	[hbm4b:s10+s2] =	stream.linear.scatter [tilespmem:s8], [sflag:$0x2], $0x8000, $0x38;
	[tilespmem:$0x8100] =	vst v63  }
0x12: {  	_ =	swait.ge [sflag:s5], $0x8000  }
0x13: {  	s11 =	sadd.s32 $0xFFFFFFFF, s11;
	[sflag:s5] =	ssyncset.done $0x0  }
.LBB2_1:
0x14: {  	p0 =	sne.s32 s11, $0x1;
	s11 =	sadd.s32 $0xFFFFFFFF, s11;
	[sflag:s5] =	ssyncadd.s32 $0xFFFF8000  }
0x15: {  	[tilespmem:s2], [sflag:$0x2] =	stream.strided.gather [hbm4b:s3+s4], $0x100, s6, s4, $0x38;
	[tilespmem:$0x8100] =	vst v63  }
0x16: {  	_ =	swait.ge [sflag:s5], $0x100  }
0x17: {  	[sflag:s5] =	ssyncset.done $0x0  }
0x18: {  	[sflag:s5] =	ssyncadd.s32 $0xFFFFFF00  }
0x19: {  	[tilespmem:s8], [sflag:$0x1] =	stream.indirect.gather [hbm4b:s7+s8], $0x80, s2, s8, $0xb8;
	[tilespmem:$0x8100] =	vst v63  }
0x1a: {  	_ =	swait.ge [sflag:s9], $0x8000  }
.Ltmp1:
0x1b: {  	[sflag:s9] =	ssyncset.done $0x0;
	(pc) =	sbr.rel @p0 .LBB2_1-.Ltmp1, $4  }
0x1c: {  	[sflag:s9] =	ssyncadd.s32 $0xFFFF8000  }
0x1d: {  	[hbm4b:s10+s2] =	stream.linear.scatter [tilespmem:s8], [sflag:$0x2], $0x8000, $0x38;
	[tilespmem:$0x8100] =	vst v63  }
0x1e: {  	_ =	swait.ge [sflag:s5], $0x8000  }
0x1f: {  	[sflag:s5] =	ssyncset.done $0x0  }
.LBB2_2:
0x20: {  	[sflag:s5] =	ssyncadd.s32 $0xFFFF8000  }
0x21: {  	_ =	sfence.sel $0x180000  }
0x22: {  	[bflag:$0x0] =	sbarrier.arrive $0xFFFF  }
0x23: {  	p0 =	sne.s32 s0, $0x0;
	_ =	strace $0x90000047  }
0x24: {  	s0 =	sadd.s32 @!p0 $0x100000, s1;
	[bflag:$0x2] =	sbarrier.arrive $0xFFFF  }
0x25: {  	[sflag:s0] =	ssyncadd.tile.s32 @!p0 $0x1;
	_ =	shalt  }
.Lfunc_end2:
_tile_overlayer_lowered:
.L_overlay_start_2:
0x26: {  	(tag) =	ssettag $0x2  }
0x27: {  	s0 =	rddreg [dreg:$0x0];
	s2 =	stileid.u32  }
0x28: {  	s1 =	rddreg [dreg:$0x1];
	p0 =	sne.s32 s2, $0x0  }
0x29: {  	s3 =	rddreg [dreg:$0x2];
	[bflag:$0x3] =	sbarrier.arrive $0xFFFF;
	s2 =	simm.s32 @!p0 $0x1C02  }
0x2a: {  	[timem:s3], [sflag:s2] =	dma.local @!p0 [hbm:s0], s1  }
0x2b: {  	s0 =	simm.s32 @!p0 $0x2  }
0x2c: {  	_ =	swait.ge @!p0 [sflag:s0], s1  }
0x2d: {  	s1 =	ssub.s32 @!p0 $0x0, s1;
	[sflag:s0] =	ssyncset.done @!p0 $0x0  }
0x2e: {  	[sflag:s0] =	ssyncadd.s32 @!p0 s1  }
0x2f: {  	[bflag:$0x3] =	sbarrier.arrive $0xFFFF  }
0x30: {  	_ =	shalt  }

</sc_bundles>
